<compile_context>
chip_gen: v7x
topology: tpu7x:2x2x1
jax: 0.10.2.dev20260603
libtpu: 0.0.44.dev20260713+nightly
codegen_flags: <defaults>
</compile_context>

<pallas_src>
import functools

import jax
import jax.numpy as jnp
from jax import lax
from jax.experimental import pallas as pl
from jax.experimental.pallas import tpu as pltpu
from jax.experimental.pallas import tpu_sc as plsc

_NC = 2
_NS = 16
_NW = _NC * _NS

_B = 4096 * 200
_D = 128
_C = 128
_CPW = _B // _NW // _C
_ROWS_PW = _CPW * _C
_NBUF = 5
_LOOK = 3
_NGRP = _CPW // _NBUF
_IDX0 = _NBUF + _LOOK

_mesh = plsc.VectorSubcoreMesh(core_axis_name="c", subcore_axis_name="s")


@functools.partial(
    pl.kernel,
    mesh=_mesh,
    out_type=jax.ShapeDtypeStruct((_B, _D), jnp.float32),
    scratch_types=[
        pltpu.VMEM((_CPW, _C), jnp.int32),
        pltpu.VMEM((_NBUF, _C, _D), jnp.float32),
        pltpu.SemaphoreType.DMA((_NBUF,)),
        pltpu.SemaphoreType.DMA((_NBUF,)),
        pltpu.SemaphoreType.DMA,
    ],
)
def _embed(idx_hbm, table_hbm, out_hbm, idx_v, buf, gsem, ssem, isem):
    wid = lax.axis_index("s") * _NC + lax.axis_index("c")
    pltpu.sync_copy(idx_hbm.at[wid, pl.ds(0, _IDX0)], idx_v.at[pl.ds(0, _IDX0)])
    rest = pltpu.async_copy(
        idx_hbm.at[wid, pl.ds(_IDX0, _CPW - _IDX0)],
        idx_v.at[pl.ds(_IDX0, _CPW - _IDX0)], isem)
    base = wid * _ROWS_PW

    def gather(j, b):
        pltpu.async_copy(table_hbm.at[idx_v.at[j]], buf.at[b], gsem.at[b])

    def gather_wait(b):
        pltpu.make_async_copy(
            table_hbm.at[idx_v.at[0]], buf.at[b], gsem.at[b]).wait()

    def store(j, b):
        pltpu.async_copy(
            buf.at[b], out_hbm.at[pl.ds(base + j * _C, _C)], ssem.at[b])

    def store_wait(b):
        pltpu.make_async_copy(
            buf.at[b], out_hbm.at[pl.ds(base, _C)], ssem.at[b]).wait()

    for b in range(_LOOK):
        gather(b, b)

    for b in range(_NBUF):
        gather_wait(b)
        store(b, b)
        if b + _LOOK >= _NBUF:
            store_wait((b + _LOOK) % _NBUF)
        gather(b + _LOOK, (b + _LOOK) % _NBUF)

    rest.wait()

    def group(g, carry):
        jb = g * _NBUF
        for b in range(_NBUF):
            gather_wait(b)
            store(jb + b, b)
            store_wait((b + _LOOK) % _NBUF)
            gather(jb + b + _LOOK, (b + _LOOK) % _NBUF)
        return carry

    lax.fori_loop(1, _NGRP - 1, group, 0)

    jb = (_NGRP - 1) * _NBUF
    for b in range(_NBUF):
        gather_wait(b)
        store(jb + b, b)
        if b + _LOOK < _NBUF:
            store_wait((b + _LOOK) % _NBUF)
            gather(jb + b + _LOOK, (b + _LOOK) % _NBUF)

    for b in range(_NBUF):
        store_wait(b)


def kernel(x, table):
    idx = x.reshape(_NW, _CPW, _C)
    out = _embed(idx, table)
    return out.reshape(x.shape[0], x.shape[1], _D)

# --- scband reference (transcript-rebuilt; emitter-appended) ---
"""Pipeline reference for scband-word-embeddings-69810398429189 (READ-ONLY COPY).

The authoritative reference and input builder live on the scoring server;
editing this copy changes nothing except your own understanding.
"""

import jax, jax.numpy as jnp
import numpy as np

VOCAB = 100000
D_MODEL = 128

def setup_inputs(seed: int = 0) -> dict:
    key = jax.random.key(seed)
    k1, k2 = jax.random.split(key)
    x = jax.random.randint(k1, (4096, 200), 0, VOCAB, dtype=jnp.int64 if jax.config.jax_enable_x64 else jnp.int32).astype(jnp.int32)
    # pretrained embedding table stand-in (row 0 is padding_idx, kept as-is for forward)
    table = jax.random.normal(k2, (VOCAB, D_MODEL), dtype=jnp.float32) * 0.02
    return {"x": x, "table": table}

def reference(x, table):
    # WordEmbeddings.forward: embedded_captions = self.lut(x); return embedded_captions
    # (the sqrt(d_model)-scaled expression is computed but discarded in the original)
    embedded_captions = jnp.take(table, x, axis=0)
    _ = embedded_captions * jnp.sqrt(jnp.float32(D_MODEL))  # discarded, matches original
    return embedded_captions

if __name__ == "__main__":
    import jax
    _d = setup_inputs()
    print(jax.jit(kernel)(*tuple(_d.values())))

</pallas_src>

<mosaic_0001>
#map = affine_map<(d0, d1) -> (0, 0, 0)>
#map1 = affine_map<(d0, d1) -> (0, 0)>
module attributes {stable_mosaic.version = 14 : i64} {
  func.func @_embed(%arg0: i32, %arg1: i32, %arg2: memref<32x200x128xi32, #tpu.memory_space<hbm>>, %arg3: memref<100000x128xf32, #tpu.memory_space<hbm>>, %arg4: memref<819200x128xf32, #tpu.memory_space<hbm>>, %arg5: memref<200x128xi32, #tpu.memory_space<vmem>>, %arg6: memref<5x128x128xf32, #tpu.memory_space<vmem>>, %arg7: memref<5x!tpu.dma_semaphore, #tpu.memory_space<semaphore_mem>>, %arg8: memref<5x!tpu.dma_semaphore, #tpu.memory_space<semaphore_mem>>, %arg9: memref<!tpu.dma_semaphore, #tpu.memory_space<semaphore_mem>>) attributes {dimension_semantics = [#tpu.dimension_semantics<core_parallel>, #tpu.dimension_semantics<subcore_parallel>], iteration_bounds = array<i64: 2, 16>, scalar_prefetch = 0 : i64, scratch_operands = 5 : i64, tpu.core_type = #tpu.core_type<sc_vector_subcore>, window_params = [{transform_indices = #map}, {transform_indices = #map1}, {transform_indices = #map1}]} {
    %mul3A = arith.constant 2 : i32
    %mul3A_0 = arith.muli %arg1, %mul3A : i32
    %add3A = arith.addi %mul3A_0, %arg0 : i32
    "tpu.region"() ({
      %run_scoped3A = tpu.sem_alloc : memref<!tpu.dma_semaphore, #tpu.memory_space<semaphore_mem>>
      %dma_start3A_674 = arith.constant 0 : i32
      %dma_start3A_675 = arith.constant 0 : i32
      %dma_start3A_676 = tpu.memref_slice %arg5[%dma_start3A_674, %dma_start3A_675] : memref<200x128xi32, #tpu.memory_space<vmem>> -> memref<8x128xi32, #tpu.memory_space<vmem>>
      %dma_start3A_677 = arith.constant 0 : i32
      %dma_start3A_678 = arith.constant 0 : i32
      %dma_start3A_679 = tpu.memref_slice %arg2[%add3A, %dma_start3A_677, %dma_start3A_678] : memref<32x200x128xi32, #tpu.memory_space<hbm>> -> memref<1x8x128xi32, #tpu.memory_space<hbm>>
      %dma_start3A_680 = tpu.memref_squeeze %dma_start3A_679 : memref<1x8x128xi32, #tpu.memory_space<hbm>> -> memref<8x128xi32, #tpu.memory_space<hbm>>
      %dma_start3A_681 = arith.constant 0 : i32
      %dma_start3A_682 = arith.constant 0 : i32
      %dma_start3A_683 = tpu.memref_slice %arg5[%dma_start3A_681, %dma_start3A_682] : memref<200x128xi32, #tpu.memory_space<vmem>> -> memref<8x128xi32, #tpu.memory_space<vmem>>
      %dma_start3A_684 = arith.constant 0 : i32
      %dma_start3A_685 = arith.constant 0 : i32
      %dma_start3A_686 = tpu.memref_slice %arg2[%add3A, %dma_start3A_684, %dma_start3A_685] : memref<32x200x128xi32, #tpu.memory_space<hbm>> -> memref<1x8x128xi32, #tpu.memory_space<hbm>>
      %dma_start3A_687 = tpu.memref_squeeze %dma_start3A_686 : memref<1x8x128xi32, #tpu.memory_space<hbm>> -> memref<8x128xi32, #tpu.memory_space<hbm>>
      tpu.enqueue_dma source(%dma_start3A_687 : memref<8x128xi32, #tpu.memory_space<hbm>>) target(%dma_start3A_683 : memref<8x128xi32, #tpu.memory_space<vmem>>) target_semaphore(%run_scoped3A : memref<!tpu.dma_semaphore, #tpu.memory_space<semaphore_mem>>)
      %dma_wait3A_688 = arith.constant 0 : i32
      %dma_wait3A_689 = arith.constant 0 : i32
      %dma_wait3A_690 = tpu.memref_slice %arg5[%dma_wait3A_688, %dma_wait3A_689] : memref<200x128xi32, #tpu.memory_space<vmem>> -> memref<8x128xi32, #tpu.memory_space<vmem>>
      %dma_wait3A_691 = arith.constant 0 : i32
      %dma_wait3A_692 = arith.constant 0 : i32
      %dma_wait3A_693 = tpu.memref_slice %arg2[%add3A, %dma_wait3A_691, %dma_wait3A_692] : memref<32x200x128xi32, #tpu.memory_space<hbm>> -> memref<1x8x128xi32, #tpu.memory_space<hbm>>
      %dma_wait3A_694 = tpu.memref_squeeze %dma_wait3A_693 : memref<1x8x128xi32, #tpu.memory_space<hbm>> -> memref<8x128xi32, #tpu.memory_space<hbm>>
      %dma_wait3A_695 = arith.constant 0 : i32
      %dma_wait3A_696 = arith.constant 0 : i32
      %dma_wait3A_697 = tpu.memref_slice %arg5[%dma_wait3A_695, %dma_wait3A_696] : memref<200x128xi32, #tpu.memory_space<vmem>> -> memref<8x128xi32, #tpu.memory_space<vmem>>
      %dma_wait3A_698 = arith.constant 0 : i32
      %dma_wait3A_699 = arith.constant 0 : i32
      %dma_wait3A_700 = tpu.memref_slice %arg2[%add3A, %dma_wait3A_698, %dma_wait3A_699] : memref<32x200x128xi32, #tpu.memory_space<hbm>> -> memref<1x8x128xi32, #tpu.memory_space<hbm>>
      %dma_wait3A_701 = tpu.memref_squeeze %dma_wait3A_700 : memref<1x8x128xi32, #tpu.memory_space<hbm>> -> memref<8x128xi32, #tpu.memory_space<hbm>>
      tpu.wait_dma2 semaphore(%run_scoped3A : memref<!tpu.dma_semaphore, #tpu.memory_space<semaphore_mem>>) src(%dma_wait3A_701 : memref<8x128xi32, #tpu.memory_space<hbm>>) dst(%dma_wait3A_697 : memref<8x128xi32, #tpu.memory_space<vmem>>)
      tpu.yield
    }) : () -> ()
    %dma_start3A = arith.constant 8 : i32
    %dma_start3A_1 = arith.constant 0 : i32
    %dma_start3A_2 = tpu.memref_slice %arg5[%dma_start3A, %dma_start3A_1] : memref<200x128xi32, #tpu.memory_space<vmem>> -> memref<192x128xi32, #tpu.memory_space<vmem>>
    %dma_start3A_3 = arith.constant 8 : i32
    %dma_start3A_4 = arith.constant 0 : i32
    %dma_start3A_5 = tpu.memref_slice %arg2[%add3A, %dma_start3A_3, %dma_start3A_4] : memref<32x200x128xi32, #tpu.memory_space<hbm>> -> memref<1x192x128xi32, #tpu.memory_space<hbm>>
    %dma_start3A_6 = tpu.memref_squeeze %dma_start3A_5 : memref<1x192x128xi32, #tpu.memory_space<hbm>> -> memref<192x128xi32, #tpu.memory_space<hbm>>
    %dma_start3A_7 = arith.constant 8 : i32
    %dma_start3A_8 = arith.constant 0 : i32
    %dma_start3A_9 = tpu.memref_slice %arg5[%dma_start3A_7, %dma_start3A_8] : memref<200x128xi32, #tpu.memory_space<vmem>> -> memref<192x128xi32, #tpu.memory_space<vmem>>
    %dma_start3A_10 = arith.constant 8 : i32
    %dma_start3A_11 = arith.constant 0 : i32
    %dma_start3A_12 = tpu.memref_slice %arg2[%add3A, %dma_start3A_10, %dma_start3A_11] : memref<32x200x128xi32, #tpu.memory_space<hbm>> -> memref<1x192x128xi32, #tpu.memory_space<hbm>>
    %dma_start3A_13 = tpu.memref_squeeze %dma_start3A_12 : memref<1x192x128xi32, #tpu.memory_space<hbm>> -> memref<192x128xi32, #tpu.memory_space<hbm>>
    tpu.enqueue_dma source(%dma_start3A_13 : memref<192x128xi32, #tpu.memory_space<hbm>>) target(%dma_start3A_9 : memref<192x128xi32, #tpu.memory_space<vmem>>) target_semaphore(%arg9 : memref<!tpu.dma_semaphore, #tpu.memory_space<semaphore_mem>>)
    %mul3A_14 = arith.constant 25600 : i32
    %mul3A_15 = arith.muli %add3A, %mul3A_14 : i32
    %dma_start3A_16 = arith.constant 0 : i32
    %dma_start3A_17 = arith.constant 0 : i32
    %dma_start3A_18 = arith.constant 0 : i32
    %dma_start3A_19 = arith.constant 0 : i32
    %dma_start3A_20 = arith.constant 0 : i32
    %dma_start3A_21 = tpu.memref_slice %arg6[%dma_start3A_17, %dma_start3A_19, %dma_start3A_20] : memref<5x128x128xf32, #tpu.memory_space<vmem>> -> memref<1x128x128xf32, #tpu.memory_space<vmem>>
    %dma_start3A_22 = tpu.memref_squeeze %dma_start3A_21 : memref<1x128x128xf32, #tpu.memory_space<vmem>> -> memref<128x128xf32, #tpu.memory_space<vmem>>
    %dma_start3A_23 = arith.constant 0 : i32
    %dma_start3A_24 = tpu.memref_slice %arg5[%dma_start3A_16, %dma_start3A_23] : memref<200x128xi32, #tpu.memory_space<vmem>> -> memref<1x128xi32, #tpu.memory_space<vmem>>
    %dma_start3A_25 = tpu.memref_squeeze %dma_start3A_24 : memref<1x128xi32, #tpu.memory_space<vmem>> -> memref<128xi32, #tpu.memory_space<vmem>>
    %dma_start3A_26 = arith.constant 0 : i32
    %dma_start3A_27 = arith.constant 0 : i32
    %dma_start3A_28 = tpu.memref_slice %arg3[%dma_start3A_26, %dma_start3A_27] : memref<100000x128xf32, #tpu.memory_space<hbm>> -> memref<100000x128xf32, #tpu.memory_space<hbm>>
    %dma_start3A_29 = tpu.memref_slice %arg7[%dma_start3A_18] : memref<5x!tpu.dma_semaphore, #tpu.memory_space<semaphore_mem>> -> memref<1x!tpu.dma_semaphore, #tpu.memory_space<semaphore_mem>>
    %dma_start3A_30 = tpu.memref_squeeze %dma_start3A_29 : memref<1x!tpu.dma_semaphore, #tpu.memory_space<semaphore_mem>> -> memref<!tpu.dma_semaphore, #tpu.memory_space<semaphore_mem>>
    tpu.enqueue_indirect_dma source(%dma_start3A_28 : memref<100000x128xf32, #tpu.memory_space<hbm>>) target(%dma_start3A_22 : memref<128x128xf32, #tpu.memory_space<vmem>>) offsets(%dma_start3A_25 : memref<128xi32, #tpu.memory_space<vmem>>) semaphore(%dma_start3A_30 : memref<!tpu.dma_semaphore, #tpu.memory_space<semaphore_mem>>)
    %dma_start3A_31 = arith.constant 1 : i32
    %dma_start3A_32 = arith.constant 1 : i32
    %dma_start3A_33 = arith.constant 1 : i32
    %dma_start3A_34 = arith.constant 0 : i32
    %dma_start3A_35 = arith.constant 0 : i32
    %dma_start3A_36 = tpu.memref_slice %arg6[%dma_start3A_32, %dma_start3A_34, %dma_start3A_35] : memref<5x128x128xf32, #tpu.memory_space<vmem>> -> memref<1x128x128xf32, #tpu.memory_space<vmem>>
    %dma_start3A_37 = tpu.memref_squeeze %dma_start3A_36 : memref<1x128x128xf32, #tpu.memory_space<vmem>> -> memref<128x128xf32, #tpu.memory_space<vmem>>
    %dma_start3A_38 = arith.constant 0 : i32
    %dma_start3A_39 = tpu.memref_slice %arg5[%dma_start3A_31, %dma_start3A_38] : memref<200x128xi32, #tpu.memory_space<vmem>> -> memref<1x128xi32, #tpu.memory_space<vmem>>
    %dma_start3A_40 = tpu.memref_squeeze %dma_start3A_39 : memref<1x128xi32, #tpu.memory_space<vmem>> -> memref<128xi32, #tpu.memory_space<vmem>>
    %dma_start3A_41 = arith.constant 0 : i32
    %dma_start3A_42 = arith.constant 0 : i32
    %dma_start3A_43 = tpu.memref_slice %arg3[%dma_start3A_41, %dma_start3A_42] : memref<100000x128xf32, #tpu.memory_space<hbm>> -> memref<100000x128xf32, #tpu.memory_space<hbm>>
    %dma_start3A_44 = tpu.memref_slice %arg7[%dma_start3A_33] : memref<5x!tpu.dma_semaphore, #tpu.memory_space<semaphore_mem>> -> memref<1x!tpu.dma_semaphore, #tpu.memory_space<semaphore_mem>>
    %dma_start3A_45 = tpu.memref_squeeze %dma_start3A_44 : memref<1x!tpu.dma_semaphore, #tpu.memory_space<semaphore_mem>> -> memref<!tpu.dma_semaphore, #tpu.memory_space<semaphore_mem>>
    tpu.enqueue_indirect_dma source(%dma_start3A_43 : memref<100000x128xf32, #tpu.memory_space<hbm>>) target(%dma_start3A_37 : memref<128x128xf32, #tpu.memory_space<vmem>>) offsets(%dma_start3A_40 : memref<128xi32, #tpu.memory_space<vmem>>) semaphore(%dma_start3A_45 : memref<!tpu.dma_semaphore, #tpu.memory_space<semaphore_mem>>)
    %dma_start3A_46 = arith.constant 2 : i32
    %dma_start3A_47 = arith.constant 2 : i32
    %dma_start3A_48 = arith.constant 2 : i32
    %dma_start3A_49 = arith.constant 0 : i32
    %dma_start3A_50 = arith.constant 0 : i32
    %dma_start3A_51 = tpu.memref_slice %arg6[%dma_start3A_47, %dma_start3A_49, %dma_start3A_50] : memref<5x128x128xf32, #tpu.memory_space<vmem>> -> memref<1x128x128xf32, #tpu.memory_space<vmem>>
    %dma_start3A_52 = tpu.memref_squeeze %dma_start3A_51 : memref<1x128x128xf32, #tpu.memory_space<vmem>> -> memref<128x128xf32, #tpu.memory_space<vmem>>
    %dma_start3A_53 = arith.constant 0 : i32
    %dma_start3A_54 = tpu.memref_slice %arg5[%dma_start3A_46, %dma_start3A_53] : memref<200x128xi32, #tpu.memory_space<vmem>> -> memref<1x128xi32, #tpu.memory_space<vmem>>
    %dma_start3A_55 = tpu.memref_squeeze %dma_start3A_54 : memref<1x128xi32, #tpu.memory_space<vmem>> -> memref<128xi32, #tpu.memory_space<vmem>>
    %dma_start3A_56 = arith.constant 0 : i32
    %dma_start3A_57 = arith.constant 0 : i32
    %dma_start3A_58 = tpu.memref_slice %arg3[%dma_start3A_56, %dma_start3A_57] : memref<100000x128xf32, #tpu.memory_space<hbm>> -> memref<100000x128xf32, #tpu.memory_space<hbm>>
    %dma_start3A_59 = tpu.memref_slice %arg7[%dma_start3A_48] : memref<5x!tpu.dma_semaphore, #tpu.memory_space<semaphore_mem>> -> memref<1x!tpu.dma_semaphore, #tpu.memory_space<semaphore_mem>>
    %dma_start3A_60 = tpu.memref_squeeze %dma_start3A_59 : memref<1x!tpu.dma_semaphore, #tpu.memory_space<semaphore_mem>> -> memref<!tpu.dma_semaphore, #tpu.memory_space<semaphore_mem>>
    tpu.enqueue_indirect_dma source(%dma_start3A_58 : memref<100000x128xf32, #tpu.memory_space<hbm>>) target(%dma_start3A_52 : memref<128x128xf32, #tpu.memory_space<vmem>>) offsets(%dma_start3A_55 : memref<128xi32, #tpu.memory_space<vmem>>) semaphore(%dma_start3A_60 : memref<!tpu.dma_semaphore, #tpu.memory_space<semaphore_mem>>)
    %dma_wait3A = arith.constant 0 : i32
    %dma_wait3A_61 = arith.constant 0 : i32
    %dma_wait3A_62 = arith.constant 0 : i32
    %dma_wait3A_63 = arith.constant 0 : i32
    %dma_wait3A_64 = arith.constant 0 : i32
    %dma_wait3A_65 = tpu.memref_slice %arg6[%dma_wait3A_61, %dma_wait3A_63, %dma_wait3A_64] : memref<5x128x128xf32, #tpu.memory_space<vmem>> -> memref<1x128x128xf32, #tpu.memory_space<vmem>>
    %dma_wait3A_66 = tpu.memref_squeeze %dma_wait3A_65 : memref<1x128x128xf32, #tpu.memory_space<vmem>> -> memref<128x128xf32, #tpu.memory_space<vmem>>
    %dma_wait3A_67 = arith.constant 0 : i32
    %dma_wait3A_68 = tpu.memref_slice %arg5[%dma_wait3A, %dma_wait3A_67] : memref<200x128xi32, #tpu.memory_space<vmem>> -> memref<1x128xi32, #tpu.memory_space<vmem>>
    %dma_wait3A_69 = tpu.memref_squeeze %dma_wait3A_68 : memref<1x128xi32, #tpu.memory_space<vmem>> -> memref<128xi32, #tpu.memory_space<vmem>>
    %dma_wait3A_70 = arith.constant 0 : i32
    %dma_wait3A_71 = arith.constant 0 : i32
    %dma_wait3A_72 = tpu.memref_slice %arg3[%dma_wait3A_70, %dma_wait3A_71] : memref<100000x128xf32, #tpu.memory_space<hbm>> -> memref<100000x128xf32, #tpu.memory_space<hbm>>
    %dma_wait3A_73 = tpu.memref_slice %arg7[%dma_wait3A_62] : memref<5x!tpu.dma_semaphore, #tpu.memory_space<semaphore_mem>> -> memref<1x!tpu.dma_semaphore, #tpu.memory_space<semaphore_mem>>
    %dma_wait3A_74 = tpu.memref_squeeze %dma_wait3A_73 : memref<1x!tpu.dma_semaphore, #tpu.memory_space<semaphore_mem>> -> memref<!tpu.dma_semaphore, #tpu.memory_space<semaphore_mem>>
    tpu.wait_indirect_dma semaphore(%dma_wait3A_74 : memref<!tpu.dma_semaphore, #tpu.memory_space<semaphore_mem>>) src(%dma_wait3A_72 : memref<100000x128xf32, #tpu.memory_space<hbm>>) dst(%dma_wait3A_66 : memref<128x128xf32, #tpu.memory_space<vmem>>)
    %add3A_75 = arith.constant 0 : i32
    %add3A_76 = arith.addi %mul3A_15, %add3A_75 : i32
    %dma_start3A_77 = arith.constant 0 : i32
    %dma_start3A_78 = arith.constant 0 : i32
    %dma_start3A_79 = arith.constant 0 : i32
    %dma_start3A_80 = arith.constant 0 : i32
    %dma_start3A_81 = tpu.memref_slice %arg6[%dma_start3A_77, %dma_start3A_79, %dma_start3A_80] : memref<5x128x128xf32, #tpu.memory_space<vmem>> -> memref<1x128x128xf32, #tpu.memory_space<vmem>>
    %dma_start3A_82 = tpu.memref_squeeze %dma_start3A_81 : memref<1x128x128xf32, #tpu.memory_space<vmem>> -> memref<128x128xf32, #tpu.memory_space<vmem>>
    %dma_start3A_83 = arith.constant 0 : i32
    %dma_start3A_84 = tpu.memref_slice %arg4[%add3A_76, %dma_start3A_83] : memref<819200x128xf32, #tpu.memory_space<hbm>> -> memref<128x128xf32, #tpu.memory_space<hbm>>
    %dma_start3A_85 = tpu.memref_slice %arg8[%dma_start3A_78] : memref<5x!tpu.dma_semaphore, #tpu.memory_space<semaphore_mem>> -> memref<1x!tpu.dma_semaphore, #tpu.memory_space<semaphore_mem>>
    %dma_start3A_86 = tpu.memref_squeeze %dma_start3A_85 : memref<1x!tpu.dma_semaphore, #tpu.memory_space<semaphore_mem>> -> memref<!tpu.dma_semaphore, #tpu.memory_space<semaphore_mem>>
    %dma_start3A_87 = arith.constant 0 : i32
    %dma_start3A_88 = tpu.memref_slice %arg4[%add3A_76, %dma_start3A_87] : memref<819200x128xf32, #tpu.memory_space<hbm>> -> memref<128x128xf32, #tpu.memory_space<hbm>>
    %dma_start3A_89 = arith.constant 0 : i32
    %dma_start3A_90 = arith.constant 0 : i32
    %dma_start3A_91 = tpu.memref_slice %arg6[%dma_start3A_77, %dma_start3A_89, %dma_start3A_90] : memref<5x128x128xf32, #tpu.memory_space<vmem>> -> memref<1x128x128xf32, #tpu.memory_space<vmem>>
    %dma_start3A_92 = tpu.memref_squeeze %dma_start3A_91 : memref<1x128x128xf32, #tpu.memory_space<vmem>> -> memref<128x128xf32, #tpu.memory_space<vmem>>
    tpu.enqueue_dma source(%dma_start3A_92 : memref<128x128xf32, #tpu.memory_space<vmem>>) target(%dma_start3A_88 : memref<128x128xf32, #tpu.memory_space<hbm>>) target_semaphore(%dma_start3A_86 : memref<!tpu.dma_semaphore, #tpu.memory_space<semaphore_mem>>)
    %dma_start3A_93 = arith.constant 3 : i32
    %dma_start3A_94 = arith.constant 3 : i32
    %dma_start3A_95 = arith.constant 3 : i32
    %dma_start3A_96 = arith.constant 0 : i32
    %dma_start3A_97 = arith.constant 0 : i32
    %dma_start3A_98 = tpu.memref_slice %arg6[%dma_start3A_94, %dma_start3A_96, %dma_start3A_97] : memref<5x128x128xf32, #tpu.memory_space<vmem>> -> memref<1x128x128xf32, #tpu.memory_space<vmem>>
    %dma_start3A_99 = tpu.memref_squeeze %dma_start3A_98 : memref<1x128x128xf32, #tpu.memory_space<vmem>> -> memref<128x128xf32, #tpu.memory_space<vmem>>
    %dma_start3A_100 = arith.constant 0 : i32
    %dma_start3A_101 = tpu.memref_slice %arg5[%dma_start3A_93, %dma_start3A_100] : memref<200x128xi32, #tpu.memory_space<vmem>> -> memref<1x128xi32, #tpu.memory_space<vmem>>
    %dma_start3A_102 = tpu.memref_squeeze %dma_start3A_101 : memref<1x128xi32, #tpu.memory_space<vmem>> -> memref<128xi32, #tpu.memory_space<vmem>>
    %dma_start3A_103 = arith.constant 0 : i32
    %dma_start3A_104 = arith.constant 0 : i32
    %dma_start3A_105 = tpu.memref_slice %arg3[%dma_start3A_103, %dma_start3A_104] : memref<100000x128xf32, #tpu.memory_space<hbm>> -> memref<100000x128xf32, #tpu.memory_space<hbm>>
    %dma_start3A_106 = tpu.memref_slice %arg7[%dma_start3A_95] : memref<5x!tpu.dma_semaphore, #tpu.memory_space<semaphore_mem>> -> memref<1x!tpu.dma_semaphore, #tpu.memory_space<semaphore_mem>>
    %dma_start3A_107 = tpu.memref_squeeze %dma_start3A_106 : memref<1x!tpu.dma_semaphore, #tpu.memory_space<semaphore_mem>> -> memref<!tpu.dma_semaphore, #tpu.memory_space<semaphore_mem>>
    tpu.enqueue_indirect_dma source(%dma_start3A_105 : memref<100000x128xf32, #tpu.memory_space<hbm>>) target(%dma_start3A_99 : memref<128x128xf32, #tpu.memory_space<vmem>>) offsets(%dma_start3A_102 : memref<128xi32, #tpu.memory_space<vmem>>) semaphore(%dma_start3A_107 : memref<!tpu.dma_semaphore, #tpu.memory_space<semaphore_mem>>)
    %dma_wait3A_108 = arith.constant 0 : i32
    %dma_wait3A_109 = arith.constant 1 : i32
    %dma_wait3A_110 = arith.constant 1 : i32
    %dma_wait3A_111 = arith.constant 0 : i32
    %dma_wait3A_112 = arith.constant 0 : i32
    %dma_wait3A_113 = tpu.memref_slice %arg6[%dma_wait3A_109, %dma_wait3A_111, %dma_wait3A_112] : memref<5x128x128xf32, #tpu.memory_space<vmem>> -> memref<1x128x128xf32, #tpu.memory_space<vmem>>
    %dma_wait3A_114 = tpu.memref_squeeze %dma_wait3A_113 : memref<1x128x128xf32, #tpu.memory_space<vmem>> -> memref<128x128xf32, #tpu.memory_space<vmem>>
    %dma_wait3A_115 = arith.constant 0 : i32
    %dma_wait3A_116 = tpu.memref_slice %arg5[%dma_wait3A_108, %dma_wait3A_115] : memref<200x128xi32, #tpu.memory_space<vmem>> -> memref<1x128xi32, #tpu.memory_space<vmem>>
    %dma_wait3A_117 = tpu.memref_squeeze %dma_wait3A_116 : memref<1x128xi32, #tpu.memory_space<vmem>> -> memref<128xi32, #tpu.memory_space<vmem>>
    %dma_wait3A_118 = arith.constant 0 : i32
    %dma_wait3A_119 = arith.constant 0 : i32
    %dma_wait3A_120 = tpu.memref_slice %arg3[%dma_wait3A_118, %dma_wait3A_119] : memref<100000x128xf32, #tpu.memory_space<hbm>> -> memref<100000x128xf32, #tpu.memory_space<hbm>>
    %dma_wait3A_121 = tpu.memref_slice %arg7[%dma_wait3A_110] : memref<5x!tpu.dma_semaphore, #tpu.memory_space<semaphore_mem>> -> memref<1x!tpu.dma_semaphore, #tpu.memory_space<semaphore_mem>>
    %dma_wait3A_122 = tpu.memref_squeeze %dma_wait3A_121 : memref<1x!tpu.dma_semaphore, #tpu.memory_space<semaphore_mem>> -> memref<!tpu.dma_semaphore, #tpu.memory_space<semaphore_mem>>
    tpu.wait_indirect_dma semaphore(%dma_wait3A_122 : memref<!tpu.dma_semaphore, #tpu.memory_space<semaphore_mem>>) src(%dma_wait3A_120 : memref<100000x128xf32, #tpu.memory_space<hbm>>) dst(%dma_wait3A_114 : memref<128x128xf32, #tpu.memory_space<vmem>>)
    %add3A_123 = arith.constant 128 : i32
    %add3A_124 = arith.addi %mul3A_15, %add3A_123 : i32
    %dma_start3A_125 = arith.constant 1 : i32
    %dma_start3A_126 = arith.constant 1 : i32
    %dma_start3A_127 = arith.constant 0 : i32
    %dma_start3A_128 = arith.constant 0 : i32
    %dma_start3A_129 = tpu.memref_slice %arg6[%dma_start3A_125, %dma_start3A_127, %dma_start3A_128] : memref<5x128x128xf32, #tpu.memory_space<vmem>> -> memref<1x128x128xf32, #tpu.memory_space<vmem>>
    %dma_start3A_130 = tpu.memref_squeeze %dma_start3A_129 : memref<1x128x128xf32, #tpu.memory_space<vmem>> -> memref<128x128xf32, #tpu.memory_space<vmem>>
    %dma_start3A_131 = arith.constant 0 : i32
    %dma_start3A_132 = tpu.memref_slice %arg4[%add3A_124, %dma_start3A_131] : memref<819200x128xf32, #tpu.memory_space<hbm>> -> memref<128x128xf32, #tpu.memory_space<hbm>>
    %dma_start3A_133 = tpu.memref_slice %arg8[%dma_start3A_126] : memref<5x!tpu.dma_semaphore, #tpu.memory_space<semaphore_mem>> -> memref<1x!tpu.dma_semaphore, #tpu.memory_space<semaphore_mem>>
    %dma_start3A_134 = tpu.memref_squeeze %dma_start3A_133 : memref<1x!tpu.dma_semaphore, #tpu.memory_space<semaphore_mem>> -> memref<!tpu.dma_semaphore, #tpu.memory_space<semaphore_mem>>
    %dma_start3A_135 = arith.constant 0 : i32
    %dma_start3A_136 = tpu.memref_slice %arg4[%add3A_124, %dma_start3A_135] : memref<819200x128xf32, #tpu.memory_space<hbm>> -> memref<128x128xf32, #tpu.memory_space<hbm>>
    %dma_start3A_137 = arith.constant 0 : i32
    %dma_start3A_138 = arith.constant 0 : i32
    %dma_start3A_139 = tpu.memref_slice %arg6[%dma_start3A_125, %dma_start3A_137, %dma_start3A_138] : memref<5x128x128xf32, #tpu.memory_space<vmem>> -> memref<1x128x128xf32, #tpu.memory_space<vmem>>
    %dma_start3A_140 = tpu.memref_squeeze %dma_start3A_139 : memref<1x128x128xf32, #tpu.memory_space<vmem>> -> memref<128x128xf32, #tpu.memory_space<vmem>>
    tpu.enqueue_dma source(%dma_start3A_140 : memref<128x128xf32, #tpu.memory_space<vmem>>) target(%dma_start3A_136 : memref<128x128xf32, #tpu.memory_space<hbm>>) target_semaphore(%dma_start3A_134 : memref<!tpu.dma_semaphore, #tpu.memory_space<semaphore_mem>>)
    %dma_start3A_141 = arith.constant 4 : i32
    %dma_start3A_142 = arith.constant 4 : i32
    %dma_start3A_143 = arith.constant 4 : i32
    %dma_start3A_144 = arith.constant 0 : i32
    %dma_start3A_145 = arith.constant 0 : i32
    %dma_start3A_146 = tpu.memref_slice %arg6[%dma_start3A_142, %dma_start3A_144, %dma_start3A_145] : memref<5x128x128xf32, #tpu.memory_space<vmem>> -> memref<1x128x128xf32, #tpu.memory_space<vmem>>
    %dma_start3A_147 = tpu.memref_squeeze %dma_start3A_146 : memref<1x128x128xf32, #tpu.memory_space<vmem>> -> memref<128x128xf32, #tpu.memory_space<vmem>>
    %dma_start3A_148 = arith.constant 0 : i32
    %dma_start3A_149 = tpu.memref_slice %arg5[%dma_start3A_141, %dma_start3A_148] : memref<200x128xi32, #tpu.memory_space<vmem>> -> memref<1x128xi32, #tpu.memory_space<vmem>>
    %dma_start3A_150 = tpu.memref_squeeze %dma_start3A_149 : memref<1x128xi32, #tpu.memory_space<vmem>> -> memref<128xi32, #tpu.memory_space<vmem>>
    %dma_start3A_151 = arith.constant 0 : i32
    %dma_start3A_152 = arith.constant 0 : i32
    %dma_start3A_153 = tpu.memref_slice %arg3[%dma_start3A_151, %dma_start3A_152] : memref<100000x128xf32, #tpu.memory_space<hbm>> -> memref<100000x128xf32, #tpu.memory_space<hbm>>
    %dma_start3A_154 = tpu.memref_slice %arg7[%dma_start3A_143] : memref<5x!tpu.dma_semaphore, #tpu.memory_space<semaphore_mem>> -> memref<1x!tpu.dma_semaphore, #tpu.memory_space<semaphore_mem>>
    %dma_start3A_155 = tpu.memref_squeeze %dma_start3A_154 : memref<1x!tpu.dma_semaphore, #tpu.memory_space<semaphore_mem>> -> memref<!tpu.dma_semaphore, #tpu.memory_space<semaphore_mem>>
    tpu.enqueue_indirect_dma source(%dma_start3A_153 : memref<100000x128xf32, #tpu.memory_space<hbm>>) target(%dma_start3A_147 : memref<128x128xf32, #tpu.memory_space<vmem>>) offsets(%dma_start3A_150 : memref<128xi32, #tpu.memory_space<vmem>>) semaphore(%dma_start3A_155 : memref<!tpu.dma_semaphore, #tpu.memory_space<semaphore_mem>>)
    %dma_wait3A_156 = arith.constant 0 : i32
    %dma_wait3A_157 = arith.constant 2 : i32
    %dma_wait3A_158 = arith.constant 2 : i32
    %dma_wait3A_159 = arith.constant 0 : i32
    %dma_wait3A_160 = arith.constant 0 : i32
    %dma_wait3A_161 = tpu.memref_slice %arg6[%dma_wait3A_157, %dma_wait3A_159, %dma_wait3A_160] : memref<5x128x128xf32, #tpu.memory_space<vmem>> -> memref<1x128x128xf32, #tpu.memory_space<vmem>>
    %dma_wait3A_162 = tpu.memref_squeeze %dma_wait3A_161 : memref<1x128x128xf32, #tpu.memory_space<vmem>> -> memref<128x128xf32, #tpu.memory_space<vmem>>
    %dma_wait3A_163 = arith.constant 0 : i32
    %dma_wait3A_164 = tpu.memref_slice %arg5[%dma_wait3A_156, %dma_wait3A_163] : memref<200x128xi32, #tpu.memory_space<vmem>> -> memref<1x128xi32, #tpu.memory_space<vmem>>
    %dma_wait3A_165 = tpu.memref_squeeze %dma_wait3A_164 : memref<1x128xi32, #tpu.memory_space<vmem>> -> memref<128xi32, #tpu.memory_space<vmem>>
    %dma_wait3A_166 = arith.constant 0 : i32
    %dma_wait3A_167 = arith.constant 0 : i32
    %dma_wait3A_168 = tpu.memref_slice %arg3[%dma_wait3A_166, %dma_wait3A_167] : memref<100000x128xf32, #tpu.memory_space<hbm>> -> memref<100000x128xf32, #tpu.memory_space<hbm>>
    %dma_wait3A_169 = tpu.memref_slice %arg7[%dma_wait3A_158] : memref<5x!tpu.dma_semaphore, #tpu.memory_space<semaphore_mem>> -> memref<1x!tpu.dma_semaphore, #tpu.memory_space<semaphore_mem>>
    %dma_wait3A_170 = tpu.memref_squeeze %dma_wait3A_169 : memref<1x!tpu.dma_semaphore, #tpu.memory_space<semaphore_mem>> -> memref<!tpu.dma_semaphore, #tpu.memory_space<semaphore_mem>>
    tpu.wait_indirect_dma semaphore(%dma_wait3A_170 : memref<!tpu.dma_semaphore, #tpu.memory_space<semaphore_mem>>) src(%dma_wait3A_168 : memref<100000x128xf32, #tpu.memory_space<hbm>>) dst(%dma_wait3A_162 : memref<128x128xf32, #tpu.memory_space<vmem>>)
    %add3A_171 = arith.constant 256 : i32
    %add3A_172 = arith.addi %mul3A_15, %add3A_171 : i32
    %dma_start3A_173 = arith.constant 2 : i32
    %dma_start3A_174 = arith.constant 2 : i32
    %dma_start3A_175 = arith.constant 0 : i32
    %dma_start3A_176 = arith.constant 0 : i32
    %dma_start3A_177 = tpu.memref_slice %arg6[%dma_start3A_173, %dma_start3A_175, %dma_start3A_176] : memref<5x128x128xf32, #tpu.memory_space<vmem>> -> memref<1x128x128xf32, #tpu.memory_space<vmem>>
    %dma_start3A_178 = tpu.memref_squeeze %dma_start3A_177 : memref<1x128x128xf32, #tpu.memory_space<vmem>> -> memref<128x128xf32, #tpu.memory_space<vmem>>
    %dma_start3A_179 = arith.constant 0 : i32
    %dma_start3A_180 = tpu.memref_slice %arg4[%add3A_172, %dma_start3A_179] : memref<819200x128xf32, #tpu.memory_space<hbm>> -> memref<128x128xf32, #tpu.memory_space<hbm>>
    %dma_start3A_181 = tpu.memref_slice %arg8[%dma_start3A_174] : memref<5x!tpu.dma_semaphore, #tpu.memory_space<semaphore_mem>> -> memref<1x!tpu.dma_semaphore, #tpu.memory_space<semaphore_mem>>
    %dma_start3A_182 = tpu.memref_squeeze %dma_start3A_181 : memref<1x!tpu.dma_semaphore, #tpu.memory_space<semaphore_mem>> -> memref<!tpu.dma_semaphore, #tpu.memory_space<semaphore_mem>>
    %dma_start3A_183 = arith.constant 0 : i32
    %dma_start3A_184 = tpu.memref_slice %arg4[%add3A_172, %dma_start3A_183] : memref<819200x128xf32, #tpu.memory_space<hbm>> -> memref<128x128xf32, #tpu.memory_space<hbm>>
    %dma_start3A_185 = arith.constant 0 : i32
    %dma_start3A_186 = arith.constant 0 : i32
    %dma_start3A_187 = tpu.memref_slice %arg6[%dma_start3A_173, %dma_start3A_185, %dma_start3A_186] : memref<5x128x128xf32, #tpu.memory_space<vmem>> -> memref<1x128x128xf32, #tpu.memory_space<vmem>>
    %dma_start3A_188 = tpu.memref_squeeze %dma_start3A_187 : memref<1x128x128xf32, #tpu.memory_space<vmem>> -> memref<128x128xf32, #tpu.memory_space<vmem>>
    tpu.enqueue_dma source(%dma_start3A_188 : memref<128x128xf32, #tpu.memory_space<vmem>>) target(%dma_start3A_184 : memref<128x128xf32, #tpu.memory_space<hbm>>) target_semaphore(%dma_start3A_182 : memref<!tpu.dma_semaphore, #tpu.memory_space<semaphore_mem>>)
    %dma_wait3A_189 = arith.constant 0 : i32
    %dma_wait3A_190 = arith.constant 0 : i32
    %dma_wait3A_191 = arith.constant 0 : i32
    %dma_wait3A_192 = arith.constant 0 : i32
    %dma_wait3A_193 = tpu.memref_slice %arg6[%dma_wait3A_189, %dma_wait3A_191, %dma_wait3A_192] : memref<5x128x128xf32, #tpu.memory_space<vmem>> -> memref<1x128x128xf32, #tpu.memory_space<vmem>>
    %dma_wait3A_194 = tpu.memref_squeeze %dma_wait3A_193 : memref<1x128x128xf32, #tpu.memory_space<vmem>> -> memref<128x128xf32, #tpu.memory_space<vmem>>
    %dma_wait3A_195 = arith.constant 0 : i32
    %dma_wait3A_196 = tpu.memref_slice %arg4[%mul3A_15, %dma_wait3A_195] : memref<819200x128xf32, #tpu.memory_space<hbm>> -> memref<128x128xf32, #tpu.memory_space<hbm>>
    %dma_wait3A_197 = tpu.memref_slice %arg8[%dma_wait3A_190] : memref<5x!tpu.dma_semaphore, #tpu.memory_space<semaphore_mem>> -> memref<1x!tpu.dma_semaphore, #tpu.memory_space<semaphore_mem>>
    %dma_wait3A_198 = tpu.memref_squeeze %dma_wait3A_197 : memref<1x!tpu.dma_semaphore, #tpu.memory_space<semaphore_mem>> -> memref<!tpu.dma_semaphore, #tpu.memory_space<semaphore_mem>>
    %dma_wait3A_199 = arith.constant 0 : i32
    %dma_wait3A_200 = tpu.memref_slice %arg4[%mul3A_15, %dma_wait3A_199] : memref<819200x128xf32, #tpu.memory_space<hbm>> -> memref<128x128xf32, #tpu.memory_space<hbm>>
    %dma_wait3A_201 = arith.constant 0 : i32
    %dma_wait3A_202 = arith.constant 0 : i32
    %dma_wait3A_203 = tpu.memref_slice %arg6[%dma_wait3A_189, %dma_wait3A_201, %dma_wait3A_202] : memref<5x128x128xf32, #tpu.memory_space<vmem>> -> memref<1x128x128xf32, #tpu.memory_space<vmem>>
    %dma_wait3A_204 = tpu.memref_squeeze %dma_wait3A_203 : memref<1x128x128xf32, #tpu.memory_space<vmem>> -> memref<128x128xf32, #tpu.memory_space<vmem>>
    tpu.wait_dma2 semaphore(%dma_wait3A_198 : memref<!tpu.dma_semaphore, #tpu.memory_space<semaphore_mem>>) src(%dma_wait3A_204 : memref<128x128xf32, #tpu.memory_space<vmem>>) dst(%dma_wait3A_200 : memref<128x128xf32, #tpu.memory_space<hbm>>)
    %dma_start3A_205 = arith.constant 5 : i32
    %dma_start3A_206 = arith.constant 0 : i32
    %dma_start3A_207 = arith.constant 0 : i32
    %dma_start3A_208 = arith.constant 0 : i32
    %dma_start3A_209 = arith.constant 0 : i32
    %dma_start3A_210 = tpu.memref_slice %arg6[%dma_start3A_206, %dma_start3A_208, %dma_start3A_209] : memref<5x128x128xf32, #tpu.memory_space<vmem>> -> memref<1x128x128xf32, #tpu.memory_space<vmem>>
    %dma_start3A_211 = tpu.memref_squeeze %dma_start3A_210 : memref<1x128x128xf32, #tpu.memory_space<vmem>> -> memref<128x128xf32, #tpu.memory_space<vmem>>
    %dma_start3A_212 = arith.constant 0 : i32
    %dma_start3A_213 = tpu.memref_slice %arg5[%dma_start3A_205, %dma_start3A_212] : memref<200x128xi32, #tpu.memory_space<vmem>> -> memref<1x128xi32, #tpu.memory_space<vmem>>
    %dma_start3A_214 = tpu.memref_squeeze %dma_start3A_213 : memref<1x128xi32, #tpu.memory_space<vmem>> -> memref<128xi32, #tpu.memory_space<vmem>>
    %dma_start3A_215 = arith.constant 0 : i32
    %dma_start3A_216 = arith.constant 0 : i32
    %dma_start3A_217 = tpu.memref_slice %arg3[%dma_start3A_215, %dma_start3A_216] : memref<100000x128xf32, #tpu.memory_space<hbm>> -> memref<100000x128xf32, #tpu.memory_space<hbm>>
    %dma_start3A_218 = tpu.memref_slice %arg7[%dma_start3A_207] : memref<5x!tpu.dma_semaphore, #tpu.memory_space<semaphore_mem>> -> memref<1x!tpu.dma_semaphore, #tpu.memory_space<semaphore_mem>>
    %dma_start3A_219 = tpu.memref_squeeze %dma_start3A_218 : memref<1x!tpu.dma_semaphore, #tpu.memory_space<semaphore_mem>> -> memref<!tpu.dma_semaphore, #tpu.memory_space<semaphore_mem>>
    tpu.enqueue_indirect_dma source(%dma_start3A_217 : memref<100000x128xf32, #tpu.memory_space<hbm>>) target(%dma_start3A_211 : memref<128x128xf32, #tpu.memory_space<vmem>>) offsets(%dma_start3A_214 : memref<128xi32, #tpu.memory_space<vmem>>) semaphore(%dma_start3A_219 : memref<!tpu.dma_semaphore, #tpu.memory_space<semaphore_mem>>)
    %dma_wait3A_220 = arith.constant 0 : i32
    %dma_wait3A_221 = arith.constant 3 : i32
    %dma_wait3A_222 = arith.constant 3 : i32
    %dma_wait3A_223 = arith.constant 0 : i32
    %dma_wait3A_224 = arith.constant 0 : i32
    %dma_wait3A_225 = tpu.memref_slice %arg6[%dma_wait3A_221, %dma_wait3A_223, %dma_wait3A_224] : memref<5x128x128xf32, #tpu.memory_space<vmem>> -> memref<1x128x128xf32, #tpu.memory_space<vmem>>
    %dma_wait3A_226 = tpu.memref_squeeze %dma_wait3A_225 : memref<1x128x128xf32, #tpu.memory_space<vmem>> -> memref<128x128xf32, #tpu.memory_space<vmem>>
    %dma_wait3A_227 = arith.constant 0 : i32
    %dma_wait3A_228 = tpu.memref_slice %arg5[%dma_wait3A_220, %dma_wait3A_227] : memref<200x128xi32, #tpu.memory_space<vmem>> -> memref<1x128xi32, #tpu.memory_space<vmem>>
    %dma_wait3A_229 = tpu.memref_squeeze %dma_wait3A_228 : memref<1x128xi32, #tpu.memory_space<vmem>> -> memref<128xi32, #tpu.memory_space<vmem>>
    %dma_wait3A_230 = arith.constant 0 : i32
    %dma_wait3A_231 = arith.constant 0 : i32
    %dma_wait3A_232 = tpu.memref_slice %arg3[%dma_wait3A_230, %dma_wait3A_231] : memref<100000x128xf32, #tpu.memory_space<hbm>> -> memref<100000x128xf32, #tpu.memory_space<hbm>>
    %dma_wait3A_233 = tpu.memref_slice %arg7[%dma_wait3A_222] : memref<5x!tpu.dma_semaphore, #tpu.memory_space<semaphore_mem>> -> memref<1x!tpu.dma_semaphore, #tpu.memory_space<semaphore_mem>>
    %dma_wait3A_234 = tpu.memref_squeeze %dma_wait3A_233 : memref<1x!tpu.dma_semaphore, #tpu.memory_space<semaphore_mem>> -> memref<!tpu.dma_semaphore, #tpu.memory_space<semaphore_mem>>
    tpu.wait_indirect_dma semaphore(%dma_wait3A_234 : memref<!tpu.dma_semaphore, #tpu.memory_space<semaphore_mem>>) src(%dma_wait3A_232 : memref<100000x128xf32, #tpu.memory_space<hbm>>) dst(%dma_wait3A_226 : memref<128x128xf32, #tpu.memory_space<vmem>>)
    %add3A_235 = arith.constant 384 : i32
    %add3A_236 = arith.addi %mul3A_15, %add3A_235 : i32
    %dma_start3A_237 = arith.constant 3 : i32
    %dma_start3A_238 = arith.constant 3 : i32
    %dma_start3A_239 = arith.constant 0 : i32
    %dma_start3A_240 = arith.constant 0 : i32
    %dma_start3A_241 = tpu.memref_slice %arg6[%dma_start3A_237, %dma_start3A_239, %dma_start3A_240] : memref<5x128x128xf32, #tpu.memory_space<vmem>> -> memref<1x128x128xf32, #tpu.memory_space<vmem>>
    %dma_start3A_242 = tpu.memref_squeeze %dma_start3A_241 : memref<1x128x128xf32, #tpu.memory_space<vmem>> -> memref<128x128xf32, #tpu.memory_space<vmem>>
    %dma_start3A_243 = arith.constant 0 : i32
    %dma_start3A_244 = tpu.memref_slice %arg4[%add3A_236, %dma_start3A_243] : memref<819200x128xf32, #tpu.memory_space<hbm>> -> memref<128x128xf32, #tpu.memory_space<hbm>>
    %dma_start3A_245 = tpu.memref_slice %arg8[%dma_start3A_238] : memref<5x!tpu.dma_semaphore, #tpu.memory_space<semaphore_mem>> -> memref<1x!tpu.dma_semaphore, #tpu.memory_space<semaphore_mem>>
    %dma_start3A_246 = tpu.memref_squeeze %dma_start3A_245 : memref<1x!tpu.dma_semaphore, #tpu.memory_space<semaphore_mem>> -> memref<!tpu.dma_semaphore, #tpu.memory_space<semaphore_mem>>
    %dma_start3A_247 = arith.constant 0 : i32
    %dma_start3A_248 = tpu.memref_slice %arg4[%add3A_236, %dma_start3A_247] : memref<819200x128xf32, #tpu.memory_space<hbm>> -> memref<128x128xf32, #tpu.memory_space<hbm>>
    %dma_start3A_249 = arith.constant 0 : i32
    %dma_start3A_250 = arith.constant 0 : i32
    %dma_start3A_251 = tpu.memref_slice %arg6[%dma_start3A_237, %dma_start3A_249, %dma_start3A_250] : memref<5x128x128xf32, #tpu.memory_space<vmem>> -> memref<1x128x128xf32, #tpu.memory_space<vmem>>
    %dma_start3A_252 = tpu.memref_squeeze %dma_start3A_251 : memref<1x128x128xf32, #tpu.memory_space<vmem>> -> memref<128x128xf32, #tpu.memory_space<vmem>>
    tpu.enqueue_dma source(%dma_start3A_252 : memref<128x128xf32, #tpu.memory_space<vmem>>) target(%dma_start3A_248 : memref<128x128xf32, #tpu.memory_space<hbm>>) target_semaphore(%dma_start3A_246 : memref<!tpu.dma_semaphore, #tpu.memory_space<semaphore_mem>>)
    %dma_wait3A_253 = arith.constant 1 : i32
    %dma_wait3A_254 = arith.constant 1 : i32
    %dma_wait3A_255 = arith.constant 0 : i32
    %dma_wait3A_256 = arith.constant 0 : i32
    %dma_wait3A_257 = tpu.memref_slice %arg6[%dma_wait3A_253, %dma_wait3A_255, %dma_wait3A_256] : memref<5x128x128xf32, #tpu.memory_space<vmem>> -> memref<1x128x128xf32, #tpu.memory_space<vmem>>
    %dma_wait3A_258 = tpu.memref_squeeze %dma_wait3A_257 : memref<1x128x128xf32, #tpu.memory_space<vmem>> -> memref<128x128xf32, #tpu.memory_space<vmem>>
    %dma_wait3A_259 = arith.constant 0 : i32
    %dma_wait3A_260 = tpu.memref_slice %arg4[%mul3A_15, %dma_wait3A_259] : memref<819200x128xf32, #tpu.memory_space<hbm>> -> memref<128x128xf32, #tpu.memory_space<hbm>>
    %dma_wait3A_261 = tpu.memref_slice %arg8[%dma_wait3A_254] : memref<5x!tpu.dma_semaphore, #tpu.memory_space<semaphore_mem>> -> memref<1x!tpu.dma_semaphore, #tpu.memory_space<semaphore_mem>>
    %dma_wait3A_262 = tpu.memref_squeeze %dma_wait3A_261 : memref<1x!tpu.dma_semaphore, #tpu.memory_space<semaphore_mem>> -> memref<!tpu.dma_semaphore, #tpu.memory_space<semaphore_mem>>
    %dma_wait3A_263 = arith.constant 0 : i32
    %dma_wait3A_264 = tpu.memref_slice %arg4[%mul3A_15, %dma_wait3A_263] : memref<819200x128xf32, #tpu.memory_space<hbm>> -> memref<128x128xf32, #tpu.memory_space<hbm>>
    %dma_wait3A_265 = arith.constant 0 : i32
    %dma_wait3A_266 = arith.constant 0 : i32
    %dma_wait3A_267 = tpu.memref_slice %arg6[%dma_wait3A_253, %dma_wait3A_265, %dma_wait3A_266] : memref<5x128x128xf32, #tpu.memory_space<vmem>> -> memref<1x128x128xf32, #tpu.memory_space<vmem>>
    %dma_wait3A_268 = tpu.memref_squeeze %dma_wait3A_267 : memref<1x128x128xf32, #tpu.memory_space<vmem>> -> memref<128x128xf32, #tpu.memory_space<vmem>>
    tpu.wait_dma2 semaphore(%dma_wait3A_262 : memref<!tpu.dma_semaphore, #tpu.memory_space<semaphore_mem>>) src(%dma_wait3A_268 : memref<128x128xf32, #tpu.memory_space<vmem>>) dst(%dma_wait3A_264 : memref<128x128xf32, #tpu.memory_space<hbm>>)
    %dma_start3A_269 = arith.constant 6 : i32
    %dma_start3A_270 = arith.constant 1 : i32
    %dma_start3A_271 = arith.constant 1 : i32
    %dma_start3A_272 = arith.constant 0 : i32
    %dma_start3A_273 = arith.constant 0 : i32
    %dma_start3A_274 = tpu.memref_slice %arg6[%dma_start3A_270, %dma_start3A_272, %dma_start3A_273] : memref<5x128x128xf32, #tpu.memory_space<vmem>> -> memref<1x128x128xf32, #tpu.memory_space<vmem>>
    %dma_start3A_275 = tpu.memref_squeeze %dma_start3A_274 : memref<1x128x128xf32, #tpu.memory_space<vmem>> -> memref<128x128xf32, #tpu.memory_space<vmem>>
    %dma_start3A_276 = arith.constant 0 : i32
    %dma_start3A_277 = tpu.memref_slice %arg5[%dma_start3A_269, %dma_start3A_276] : memref<200x128xi32, #tpu.memory_space<vmem>> -> memref<1x128xi32, #tpu.memory_space<vmem>>
    %dma_start3A_278 = tpu.memref_squeeze %dma_start3A_277 : memref<1x128xi32, #tpu.memory_space<vmem>> -> memref<128xi32, #tpu.memory_space<vmem>>
    %dma_start3A_279 = arith.constant 0 : i32
    %dma_start3A_280 = arith.constant 0 : i32
    %dma_start3A_281 = tpu.memref_slice %arg3[%dma_start3A_279, %dma_start3A_280] : memref<100000x128xf32, #tpu.memory_space<hbm>> -> memref<100000x128xf32, #tpu.memory_space<hbm>>
    %dma_start3A_282 = tpu.memref_slice %arg7[%dma_start3A_271] : memref<5x!tpu.dma_semaphore, #tpu.memory_space<semaphore_mem>> -> memref<1x!tpu.dma_semaphore, #tpu.memory_space<semaphore_mem>>
    %dma_start3A_283 = tpu.memref_squeeze %dma_start3A_282 : memref<1x!tpu.dma_semaphore, #tpu.memory_space<semaphore_mem>> -> memref<!tpu.dma_semaphore, #tpu.memory_space<semaphore_mem>>
    tpu.enqueue_indirect_dma source(%dma_start3A_281 : memref<100000x128xf32, #tpu.memory_space<hbm>>) target(%dma_start3A_275 : memref<128x128xf32, #tpu.memory_space<vmem>>) offsets(%dma_start3A_278 : memref<128xi32, #tpu.memory_space<vmem>>) semaphore(%dma_start3A_283 : memref<!tpu.dma_semaphore, #tpu.memory_space<semaphore_mem>>)
    %dma_wait3A_284 = arith.constant 0 : i32
    %dma_wait3A_285 = arith.constant 4 : i32
    %dma_wait3A_286 = arith.constant 4 : i32
    %dma_wait3A_287 = arith.constant 0 : i32
    %dma_wait3A_288 = arith.constant 0 : i32
    %dma_wait3A_289 = tpu.memref_slice %arg6[%dma_wait3A_285, %dma_wait3A_287, %dma_wait3A_288] : memref<5x128x128xf32, #tpu.memory_space<vmem>> -> memref<1x128x128xf32, #tpu.memory_space<vmem>>
    %dma_wait3A_290 = tpu.memref_squeeze %dma_wait3A_289 : memref<1x128x128xf32, #tpu.memory_space<vmem>> -> memref<128x128xf32, #tpu.memory_space<vmem>>
    %dma_wait3A_291 = arith.constant 0 : i32
    %dma_wait3A_292 = tpu.memref_slice %arg5[%dma_wait3A_284, %dma_wait3A_291] : memref<200x128xi32, #tpu.memory_space<vmem>> -> memref<1x128xi32, #tpu.memory_space<vmem>>
    %dma_wait3A_293 = tpu.memref_squeeze %dma_wait3A_292 : memref<1x128xi32, #tpu.memory_space<vmem>> -> memref<128xi32, #tpu.memory_space<vmem>>
    %dma_wait3A_294 = arith.constant 0 : i32
    %dma_wait3A_295 = arith.constant 0 : i32
    %dma_wait3A_296 = tpu.memref_slice %arg3[%dma_wait3A_294, %dma_wait3A_295] : memref<100000x128xf32, #tpu.memory_space<hbm>> -> memref<100000x128xf32, #tpu.memory_space<hbm>>
    %dma_wait3A_297 = tpu.memref_slice %arg7[%dma_wait3A_286] : memref<5x!tpu.dma_semaphore, #tpu.memory_space<semaphore_mem>> -> memref<1x!tpu.dma_semaphore, #tpu.memory_space<semaphore_mem>>
    %dma_wait3A_298 = tpu.memref_squeeze %dma_wait3A_297 : memref<1x!tpu.dma_semaphore, #tpu.memory_space<semaphore_mem>> -> memref<!tpu.dma_semaphore, #tpu.memory_space<semaphore_mem>>
    tpu.wait_indirect_dma semaphore(%dma_wait3A_298 : memref<!tpu.dma_semaphore, #tpu.memory_space<semaphore_mem>>) src(%dma_wait3A_296 : memref<100000x128xf32, #tpu.memory_space<hbm>>) dst(%dma_wait3A_290 : memref<128x128xf32, #tpu.memory_space<vmem>>)
    %add3A_299 = arith.constant 512 : i32
    %add3A_300 = arith.addi %mul3A_15, %add3A_299 : i32
    %dma_start3A_301 = arith.constant 4 : i32
    %dma_start3A_302 = arith.constant 4 : i32
    %dma_start3A_303 = arith.constant 0 : i32
    %dma_start3A_304 = arith.constant 0 : i32
    %dma_start3A_305 = tpu.memref_slice %arg6[%dma_start3A_301, %dma_start3A_303, %dma_start3A_304] : memref<5x128x128xf32, #tpu.memory_space<vmem>> -> memref<1x128x128xf32, #tpu.memory_space<vmem>>
    %dma_start3A_306 = tpu.memref_squeeze %dma_start3A_305 : memref<1x128x128xf32, #tpu.memory_space<vmem>> -> memref<128x128xf32, #tpu.memory_space<vmem>>
    %dma_start3A_307 = arith.constant 0 : i32
    %dma_start3A_308 = tpu.memref_slice %arg4[%add3A_300, %dma_start3A_307] : memref<819200x128xf32, #tpu.memory_space<hbm>> -> memref<128x128xf32, #tpu.memory_space<hbm>>
    %dma_start3A_309 = tpu.memref_slice %arg8[%dma_start3A_302] : memref<5x!tpu.dma_semaphore, #tpu.memory_space<semaphore_mem>> -> memref<1x!tpu.dma_semaphore, #tpu.memory_space<semaphore_mem>>
    %dma_start3A_310 = tpu.memref_squeeze %dma_start3A_309 : memref<1x!tpu.dma_semaphore, #tpu.memory_space<semaphore_mem>> -> memref<!tpu.dma_semaphore, #tpu.memory_space<semaphore_mem>>
    %dma_start3A_311 = arith.constant 0 : i32
    %dma_start3A_312 = tpu.memref_slice %arg4[%add3A_300, %dma_start3A_311] : memref<819200x128xf32, #tpu.memory_space<hbm>> -> memref<128x128xf32, #tpu.memory_space<hbm>>
    %dma_start3A_313 = arith.constant 0 : i32
    %dma_start3A_314 = arith.constant 0 : i32
    %dma_start3A_315 = tpu.memref_slice %arg6[%dma_start3A_301, %dma_start3A_313, %dma_start3A_314] : memref<5x128x128xf32, #tpu.memory_space<vmem>> -> memref<1x128x128xf32, #tpu.memory_space<vmem>>
    %dma_start3A_316 = tpu.memref_squeeze %dma_start3A_315 : memref<1x128x128xf32, #tpu.memory_space<vmem>> -> memref<128x128xf32, #tpu.memory_space<vmem>>
    tpu.enqueue_dma source(%dma_start3A_316 : memref<128x128xf32, #tpu.memory_space<vmem>>) target(%dma_start3A_312 : memref<128x128xf32, #tpu.memory_space<hbm>>) target_semaphore(%dma_start3A_310 : memref<!tpu.dma_semaphore, #tpu.memory_space<semaphore_mem>>)
    %dma_wait3A_317 = arith.constant 2 : i32
    %dma_wait3A_318 = arith.constant 2 : i32
    %dma_wait3A_319 = arith.constant 0 : i32
    %dma_wait3A_320 = arith.constant 0 : i32
    %dma_wait3A_321 = tpu.memref_slice %arg6[%dma_wait3A_317, %dma_wait3A_319, %dma_wait3A_320] : memref<5x128x128xf32, #tpu.memory_space<vmem>> -> memref<1x128x128xf32, #tpu.memory_space<vmem>>
    %dma_wait3A_322 = tpu.memref_squeeze %dma_wait3A_321 : memref<1x128x128xf32, #tpu.memory_space<vmem>> -> memref<128x128xf32, #tpu.memory_space<vmem>>
    %dma_wait3A_323 = arith.constant 0 : i32
    %dma_wait3A_324 = tpu.memref_slice %arg4[%mul3A_15, %dma_wait3A_323] : memref<819200x128xf32, #tpu.memory_space<hbm>> -> memref<128x128xf32, #tpu.memory_space<hbm>>
    %dma_wait3A_325 = tpu.memref_slice %arg8[%dma_wait3A_318] : memref<5x!tpu.dma_semaphore, #tpu.memory_space<semaphore_mem>> -> memref<1x!tpu.dma_semaphore, #tpu.memory_space<semaphore_mem>>
    %dma_wait3A_326 = tpu.memref_squeeze %dma_wait3A_325 : memref<1x!tpu.dma_semaphore, #tpu.memory_space<semaphore_mem>> -> memref<!tpu.dma_semaphore, #tpu.memory_space<semaphore_mem>>
    %dma_wait3A_327 = arith.constant 0 : i32
    %dma_wait3A_328 = tpu.memref_slice %arg4[%mul3A_15, %dma_wait3A_327] : memref<819200x128xf32, #tpu.memory_space<hbm>> -> memref<128x128xf32, #tpu.memory_space<hbm>>
    %dma_wait3A_329 = arith.constant 0 : i32
    %dma_wait3A_330 = arith.constant 0 : i32
    %dma_wait3A_331 = tpu.memref_slice %arg6[%dma_wait3A_317, %dma_wait3A_329, %dma_wait3A_330] : memref<5x128x128xf32, #tpu.memory_space<vmem>> -> memref<1x128x128xf32, #tpu.memory_space<vmem>>
    %dma_wait3A_332 = tpu.memref_squeeze %dma_wait3A_331 : memref<1x128x128xf32, #tpu.memory_space<vmem>> -> memref<128x128xf32, #tpu.memory_space<vmem>>
    tpu.wait_dma2 semaphore(%dma_wait3A_326 : memref<!tpu.dma_semaphore, #tpu.memory_space<semaphore_mem>>) src(%dma_wait3A_332 : memref<128x128xf32, #tpu.memory_space<vmem>>) dst(%dma_wait3A_328 : memref<128x128xf32, #tpu.memory_space<hbm>>)
    %dma_start3A_333 = arith.constant 7 : i32
    %dma_start3A_334 = arith.constant 2 : i32
    %dma_start3A_335 = arith.constant 2 : i32
    %dma_start3A_336 = arith.constant 0 : i32
    %dma_start3A_337 = arith.constant 0 : i32
    %dma_start3A_338 = tpu.memref_slice %arg6[%dma_start3A_334, %dma_start3A_336, %dma_start3A_337] : memref<5x128x128xf32, #tpu.memory_space<vmem>> -> memref<1x128x128xf32, #tpu.memory_space<vmem>>
    %dma_start3A_339 = tpu.memref_squeeze %dma_start3A_338 : memref<1x128x128xf32, #tpu.memory_space<vmem>> -> memref<128x128xf32, #tpu.memory_space<vmem>>
    %dma_start3A_340 = arith.constant 0 : i32
    %dma_start3A_341 = tpu.memref_slice %arg5[%dma_start3A_333, %dma_start3A_340] : memref<200x128xi32, #tpu.memory_space<vmem>> -> memref<1x128xi32, #tpu.memory_space<vmem>>
    %dma_start3A_342 = tpu.memref_squeeze %dma_start3A_341 : memref<1x128xi32, #tpu.memory_space<vmem>> -> memref<128xi32, #tpu.memory_space<vmem>>
    %dma_start3A_343 = arith.constant 0 : i32
    %dma_start3A_344 = arith.constant 0 : i32
    %dma_start3A_345 = tpu.memref_slice %arg3[%dma_start3A_343, %dma_start3A_344] : memref<100000x128xf32, #tpu.memory_space<hbm>> -> memref<100000x128xf32, #tpu.memory_space<hbm>>
    %dma_start3A_346 = tpu.memref_slice %arg7[%dma_start3A_335] : memref<5x!tpu.dma_semaphore, #tpu.memory_space<semaphore_mem>> -> memref<1x!tpu.dma_semaphore, #tpu.memory_space<semaphore_mem>>
    %dma_start3A_347 = tpu.memref_squeeze %dma_start3A_346 : memref<1x!tpu.dma_semaphore, #tpu.memory_space<semaphore_mem>> -> memref<!tpu.dma_semaphore, #tpu.memory_space<semaphore_mem>>
    tpu.enqueue_indirect_dma source(%dma_start3A_345 : memref<100000x128xf32, #tpu.memory_space<hbm>>) target(%dma_start3A_339 : memref<128x128xf32, #tpu.memory_space<vmem>>) offsets(%dma_start3A_342 : memref<128xi32, #tpu.memory_space<vmem>>) semaphore(%dma_start3A_347 : memref<!tpu.dma_semaphore, #tpu.memory_space<semaphore_mem>>)
    %dma_wait3A_348 = arith.constant 8 : i32
    %dma_wait3A_349 = arith.constant 0 : i32
    %dma_wait3A_350 = tpu.memref_slice %arg5[%dma_wait3A_348, %dma_wait3A_349] : memref<200x128xi32, #tpu.memory_space<vmem>> -> memref<192x128xi32, #tpu.memory_space<vmem>>
    %dma_wait3A_351 = arith.constant 8 : i32
    %dma_wait3A_352 = arith.constant 0 : i32
    %dma_wait3A_353 = tpu.memref_slice %arg2[%add3A, %dma_wait3A_351, %dma_wait3A_352] : memref<32x200x128xi32, #tpu.memory_space<hbm>> -> memref<1x192x128xi32, #tpu.memory_space<hbm>>
    %dma_wait3A_354 = tpu.memref_squeeze %dma_wait3A_353 : memref<1x192x128xi32, #tpu.memory_space<hbm>> -> memref<192x128xi32, #tpu.memory_space<hbm>>
    %dma_wait3A_355 = arith.constant 8 : i32
    %dma_wait3A_356 = arith.constant 0 : i32
    %dma_wait3A_357 = tpu.memref_slice %arg5[%dma_wait3A_355, %dma_wait3A_356] : memref<200x128xi32, #tpu.memory_space<vmem>> -> memref<192x128xi32, #tpu.memory_space<vmem>>
    %dma_wait3A_358 = arith.constant 8 : i32
    %dma_wait3A_359 = arith.constant 0 : i32
    %dma_wait3A_360 = tpu.memref_slice %arg2[%add3A, %dma_wait3A_358, %dma_wait3A_359] : memref<32x200x128xi32, #tpu.memory_space<hbm>> -> memref<1x192x128xi32, #tpu.memory_space<hbm>>
    %dma_wait3A_361 = tpu.memref_squeeze %dma_wait3A_360 : memref<1x192x128xi32, #tpu.memory_space<hbm>> -> memref<192x128xi32, #tpu.memory_space<hbm>>
    tpu.wait_dma2 semaphore(%arg9 : memref<!tpu.dma_semaphore, #tpu.memory_space<semaphore_mem>>) src(%dma_wait3A_361 : memref<192x128xi32, #tpu.memory_space<hbm>>) dst(%dma_wait3A_357 : memref<192x128xi32, #tpu.memory_space<vmem>>)
    %scan3A = arith.constant 0 : i32
    %scan3A_362 = arith.constant 1 : i32
    %scan3A_363 = arith.constant 38 : i32
    %scan3A_364 = arith.addi %scan3A_362, %scan3A_363 : i32
    %scan3A_365 = arith.constant 1 : i32
    scf.for %scan3A_674 = %scan3A_362 to %scan3A_364 step %scan3A_365  : i32 {
      %mul3A_675 = arith.constant 5 : i32
      %mul3A_676 = arith.muli %scan3A_674, %mul3A_675 : i32
      %dma_wait3A_677 = arith.constant 0 : i32
      %dma_wait3A_678 = arith.constant 0 : i32
      %dma_wait3A_679 = arith.constant 0 : i32
      %dma_wait3A_680 = arith.constant 0 : i32
      %dma_wait3A_681 = arith.constant 0 : i32
      %dma_wait3A_682 = tpu.memref_slice %arg6[%dma_wait3A_678, %dma_wait3A_680, %dma_wait3A_681] : memref<5x128x128xf32, #tpu.memory_space<vmem>> -> memref<1x128x128xf32, #tpu.memory_space<vmem>>
      %dma_wait3A_683 = tpu.memref_squeeze %dma_wait3A_682 : memref<1x128x128xf32, #tpu.memory_space<vmem>> -> memref<128x128xf32, #tpu.memory_space<vmem>>
      %dma_wait3A_684 = arith.constant 0 : i32
      %dma_wait3A_685 = tpu.memref_slice %arg5[%dma_wait3A_677, %dma_wait3A_684] : memref<200x128xi32, #tpu.memory_space<vmem>> -> memref<1x128xi32, #tpu.memory_space<vmem>>
      %dma_wait3A_686 = tpu.memref_squeeze %dma_wait3A_685 : memref<1x128xi32, #tpu.memory_space<vmem>> -> memref<128xi32, #tpu.memory_space<vmem>>
      %dma_wait3A_687 = arith.constant 0 : i32
      %dma_wait3A_688 = arith.constant 0 : i32
      %dma_wait3A_689 = tpu.memref_slice %arg3[%dma_wait3A_687, %dma_wait3A_688] : memref<100000x128xf32, #tpu.memory_space<hbm>> -> memref<100000x128xf32, #tpu.memory_space<hbm>>
      %dma_wait3A_690 = tpu.memref_slice %arg7[%dma_wait3A_679] : memref<5x!tpu.dma_semaphore, #tpu.memory_space<semaphore_mem>> -> memref<1x!tpu.dma_semaphore, #tpu.memory_space<semaphore_mem>>
      %dma_wait3A_691 = tpu.memref_squeeze %dma_wait3A_690 : memref<1x!tpu.dma_semaphore, #tpu.memory_space<semaphore_mem>> -> memref<!tpu.dma_semaphore, #tpu.memory_space<semaphore_mem>>
      tpu.wait_indirect_dma semaphore(%dma_wait3A_691 : memref<!tpu.dma_semaphore, #tpu.memory_space<semaphore_mem>>) src(%dma_wait3A_689 : memref<100000x128xf32, #tpu.memory_space<hbm>>) dst(%dma_wait3A_683 : memref<128x128xf32, #tpu.memory_space<vmem>>)
      %add3A_692 = arith.constant 0 : i32
      %add3A_693 = arith.addi %mul3A_676, %add3A_692 : i32
      %mul3A_694 = arith.constant 128 : i32
      %mul3A_695 = arith.muli %add3A_693, %mul3A_694 : i32
      %add3A_696 = arith.addi %mul3A_15, %mul3A_695 : i32
      %dma_start3A_697 = arith.constant 0 : i32
      %dma_start3A_698 = arith.constant 0 : i32
      %dma_start3A_699 = arith.constant 0 : i32
      %dma_start3A_700 = arith.constant 0 : i32
      %dma_start3A_701 = tpu.memref_slice %arg6[%dma_start3A_697, %dma_start3A_699, %dma_start3A_700] : memref<5x128x128xf32, #tpu.memory_space<vmem>> -> memref<1x128x128xf32, #tpu.memory_space<vmem>>
      %dma_start3A_702 = tpu.memref_squeeze %dma_start3A_701 : memref<1x128x128xf32, #tpu.memory_space<vmem>> -> memref<128x128xf32, #tpu.memory_space<vmem>>
      %dma_start3A_703 = arith.constant 0 : i32
      %dma_start3A_704 = tpu.memref_slice %arg4[%add3A_696, %dma_start3A_703] : memref<819200x128xf32, #tpu.memory_space<hbm>> -> memref<128x128xf32, #tpu.memory_space<hbm>>
      %dma_start3A_705 = tpu.memref_slice %arg8[%dma_start3A_698] : memref<5x!tpu.dma_semaphore, #tpu.memory_space<semaphore_mem>> -> memref<1x!tpu.dma_semaphore, #tpu.memory_space<semaphore_mem>>
      %dma_start3A_706 = tpu.memref_squeeze %dma_start3A_705 : memref<1x!tpu.dma_semaphore, #tpu.memory_space<semaphore_mem>> -> memref<!tpu.dma_semaphore, #tpu.memory_space<semaphore_mem>>
      %dma_start3A_707 = arith.constant 0 : i32
      %dma_start3A_708 = tpu.memref_slice %arg4[%add3A_696, %dma_start3A_707] : memref<819200x128xf32, #tpu.memory_space<hbm>> -> memref<128x128xf32, #tpu.memory_space<hbm>>
      %dma_start3A_709 = arith.constant 0 : i32
      %dma_start3A_710 = arith.constant 0 : i32
      %dma_start3A_711 = tpu.memref_slice %arg6[%dma_start3A_697, %dma_start3A_709, %dma_start3A_710] : memref<5x128x128xf32, #tpu.memory_space<vmem>> -> memref<1x128x128xf32, #tpu.memory_space<vmem>>
      %dma_start3A_712 = tpu.memref_squeeze %dma_start3A_711 : memref<1x128x128xf32, #tpu.memory_space<vmem>> -> memref<128x128xf32, #tpu.memory_space<vmem>>
      tpu.enqueue_dma source(%dma_start3A_712 : memref<128x128xf32, #tpu.memory_space<vmem>>) target(%dma_start3A_708 : memref<128x128xf32, #tpu.memory_space<hbm>>) target_semaphore(%dma_start3A_706 : memref<!tpu.dma_semaphore, #tpu.memory_space<semaphore_mem>>)
      %dma_wait3A_713 = arith.constant 3 : i32
      %dma_wait3A_714 = arith.constant 3 : i32
      %dma_wait3A_715 = arith.constant 0 : i32
      %dma_wait3A_716 = arith.constant 0 : i32
      %dma_wait3A_717 = tpu.memref_slice %arg6[%dma_wait3A_713, %dma_wait3A_715, %dma_wait3A_716] : memref<5x128x128xf32, #tpu.memory_space<vmem>> -> memref<1x128x128xf32, #tpu.memory_space<vmem>>
      %dma_wait3A_718 = tpu.memref_squeeze %dma_wait3A_717 : memref<1x128x128xf32, #tpu.memory_space<vmem>> -> memref<128x128xf32, #tpu.memory_space<vmem>>
      %dma_wait3A_719 = arith.constant 0 : i32
      %dma_wait3A_720 = tpu.memref_slice %arg4[%mul3A_15, %dma_wait3A_719] : memref<819200x128xf32, #tpu.memory_space<hbm>> -> memref<128x128xf32, #tpu.memory_space<hbm>>
      %dma_wait3A_721 = tpu.memref_slice %arg8[%dma_wait3A_714] : memref<5x!tpu.dma_semaphore, #tpu.memory_space<semaphore_mem>> -> memref<1x!tpu.dma_semaphore, #tpu.memory_space<semaphore_mem>>
      %dma_wait3A_722 = tpu.memref_squeeze %dma_wait3A_721 : memref<1x!tpu.dma_semaphore, #tpu.memory_space<semaphore_mem>> -> memref<!tpu.dma_semaphore, #tpu.memory_space<semaphore_mem>>
      %dma_wait3A_723 = arith.constant 0 : i32
      %dma_wait3A_724 = tpu.memref_slice %arg4[%mul3A_15, %dma_wait3A_723] : memref<819200x128xf32, #tpu.memory_space<hbm>> -> memref<128x128xf32, #tpu.memory_space<hbm>>
      %dma_wait3A_725 = arith.constant 0 : i32
      %dma_wait3A_726 = arith.constant 0 : i32
      %dma_wait3A_727 = tpu.memref_slice %arg6[%dma_wait3A_713, %dma_wait3A_725, %dma_wait3A_726] : memref<5x128x128xf32, #tpu.memory_space<vmem>> -> memref<1x128x128xf32, #tpu.memory_space<vmem>>
      %dma_wait3A_728 = tpu.memref_squeeze %dma_wait3A_727 : memref<1x128x128xf32, #tpu.memory_space<vmem>> -> memref<128x128xf32, #tpu.memory_space<vmem>>
      tpu.wait_dma2 semaphore(%dma_wait3A_722 : memref<!tpu.dma_semaphore, #tpu.memory_space<semaphore_mem>>) src(%dma_wait3A_728 : memref<128x128xf32, #tpu.memory_space<vmem>>) dst(%dma_wait3A_724 : memref<128x128xf32, #tpu.memory_space<hbm>>)
      %add3A_729 = arith.constant 0 : i32
      %add3A_730 = arith.addi %mul3A_676, %add3A_729 : i32
      %add3A_731 = arith.constant 3 : i32
      %add3A_732 = arith.addi %add3A_730, %add3A_731 : i32
      %dma_start3A_733 = arith.constant 3 : i32
      %dma_start3A_734 = arith.constant 3 : i32
      %dma_start3A_735 = arith.constant 0 : i32
      %dma_start3A_736 = arith.constant 0 : i32
      %dma_start3A_737 = tpu.memref_slice %arg6[%dma_start3A_733, %dma_start3A_735, %dma_start3A_736] : memref<5x128x128xf32, #tpu.memory_space<vmem>> -> memref<1x128x128xf32, #tpu.memory_space<vmem>>
      %dma_start3A_738 = tpu.memref_squeeze %dma_start3A_737 : memref<1x128x128xf32, #tpu.memory_space<vmem>> -> memref<128x128xf32, #tpu.memory_space<vmem>>
      %dma_start3A_739 = arith.constant 0 : i32
      %dma_start3A_740 = tpu.memref_slice %arg5[%add3A_732, %dma_start3A_739] : memref<200x128xi32, #tpu.memory_space<vmem>> -> memref<1x128xi32, #tpu.memory_space<vmem>>
      %dma_start3A_741 = tpu.memref_squeeze %dma_start3A_740 : memref<1x128xi32, #tpu.memory_space<vmem>> -> memref<128xi32, #tpu.memory_space<vmem>>
      %dma_start3A_742 = arith.constant 0 : i32
      %dma_start3A_743 = arith.constant 0 : i32
      %dma_start3A_744 = tpu.memref_slice %arg3[%dma_start3A_742, %dma_start3A_743] : memref<100000x128xf32, #tpu.memory_space<hbm>> -> memref<100000x128xf32, #tpu.memory_space<hbm>>
      %dma_start3A_745 = tpu.memref_slice %arg7[%dma_start3A_734] : memref<5x!tpu.dma_semaphore, #tpu.memory_space<semaphore_mem>> -> memref<1x!tpu.dma_semaphore, #tpu.memory_space<semaphore_mem>>
      %dma_start3A_746 = tpu.memref_squeeze %dma_start3A_745 : memref<1x!tpu.dma_semaphore, #tpu.memory_space<semaphore_mem>> -> memref<!tpu.dma_semaphore, #tpu.memory_space<semaphore_mem>>
      tpu.enqueue_indirect_dma source(%dma_start3A_744 : memref<100000x128xf32, #tpu.memory_space<hbm>>) target(%dma_start3A_738 : memref<128x128xf32, #tpu.memory_space<vmem>>) offsets(%dma_start3A_741 : memref<128xi32, #tpu.memory_space<vmem>>) semaphore(%dma_start3A_746 : memref<!tpu.dma_semaphore, #tpu.memory_space<semaphore_mem>>)
      %dma_wait3A_747 = arith.constant 0 : i32
      %dma_wait3A_748 = arith.constant 1 : i32
      %dma_wait3A_749 = arith.constant 1 : i32
      %dma_wait3A_750 = arith.constant 0 : i32
      %dma_wait3A_751 = arith.constant 0 : i32
      %dma_wait3A_752 = tpu.memref_slice %arg6[%dma_wait3A_748, %dma_wait3A_750, %dma_wait3A_751] : memref<5x128x128xf32, #tpu.memory_space<vmem>> -> memref<1x128x128xf32, #tpu.memory_space<vmem>>
      %dma_wait3A_753 = tpu.memref_squeeze %dma_wait3A_752 : memref<1x128x128xf32, #tpu.memory_space<vmem>> -> memref<128x128xf32, #tpu.memory_space<vmem>>
      %dma_wait3A_754 = arith.constant 0 : i32
      %dma_wait3A_755 = tpu.memref_slice %arg5[%dma_wait3A_747, %dma_wait3A_754] : memref<200x128xi32, #tpu.memory_space<vmem>> -> memref<1x128xi32, #tpu.memory_space<vmem>>
      %dma_wait3A_756 = tpu.memref_squeeze %dma_wait3A_755 : memref<1x128xi32, #tpu.memory_space<vmem>> -> memref<128xi32, #tpu.memory_space<vmem>>
      %dma_wait3A_757 = arith.constant 0 : i32
      %dma_wait3A_758 = arith.constant 0 : i32
      %dma_wait3A_759 = tpu.memref_slice %arg3[%dma_wait3A_757, %dma_wait3A_758] : memref<100000x128xf32, #tpu.memory_space<hbm>> -> memref<100000x128xf32, #tpu.memory_space<hbm>>
      %dma_wait3A_760 = tpu.memref_slice %arg7[%dma_wait3A_749] : memref<5x!tpu.dma_semaphore, #tpu.memory_space<semaphore_mem>> -> memref<1x!tpu.dma_semaphore, #tpu.memory_space<semaphore_mem>>
      %dma_wait3A_761 = tpu.memref_squeeze %dma_wait3A_760 : memref<1x!tpu.dma_semaphore, #tpu.memory_space<semaphore_mem>> -> memref<!tpu.dma_semaphore, #tpu.memory_space<semaphore_mem>>
      tpu.wait_indirect_dma semaphore(%dma_wait3A_761 : memref<!tpu.dma_semaphore, #tpu.memory_space<semaphore_mem>>) src(%dma_wait3A_759 : memref<100000x128xf32, #tpu.memory_space<hbm>>) dst(%dma_wait3A_753 : memref<128x128xf32, #tpu.memory_space<vmem>>)
      %add3A_762 = arith.constant 1 : i32
      %add3A_763 = arith.addi %mul3A_676, %add3A_762 : i32
      %mul3A_764 = arith.constant 128 : i32
      %mul3A_765 = arith.muli %add3A_763, %mul3A_764 : i32
      %add3A_766 = arith.addi %mul3A_15, %mul3A_765 : i32
      %dma_start3A_767 = arith.constant 1 : i32
      %dma_start3A_768 = arith.constant 1 : i32
      %dma_start3A_769 = arith.constant 0 : i32
      %dma_start3A_770 = arith.constant 0 : i32
      %dma_start3A_771 = tpu.memref_slice %arg6[%dma_start3A_767, %dma_start3A_769, %dma_start3A_770] : memref<5x128x128xf32, #tpu.memory_space<vmem>> -> memref<1x128x128xf32, #tpu.memory_space<vmem>>
      %dma_start3A_772 = tpu.memref_squeeze %dma_start3A_771 : memref<1x128x128xf32, #tpu.memory_space<vmem>> -> memref<128x128xf32, #tpu.memory_space<vmem>>
      %dma_start3A_773 = arith.constant 0 : i32
      %dma_start3A_774 = tpu.memref_slice %arg4[%add3A_766, %dma_start3A_773] : memref<819200x128xf32, #tpu.memory_space<hbm>> -> memref<128x128xf32, #tpu.memory_space<hbm>>
      %dma_start3A_775 = tpu.memref_slice %arg8[%dma_start3A_768] : memref<5x!tpu.dma_semaphore, #tpu.memory_space<semaphore_mem>> -> memref<1x!tpu.dma_semaphore, #tpu.memory_space<semaphore_mem>>
      %dma_start3A_776 = tpu.memref_squeeze %dma_start3A_775 : memref<1x!tpu.dma_semaphore, #tpu.memory_space<semaphore_mem>> -> memref<!tpu.dma_semaphore, #tpu.memory_space<semaphore_mem>>
      %dma_start3A_777 = arith.constant 0 : i32
      %dma_start3A_778 = tpu.memref_slice %arg4[%add3A_766, %dma_start3A_777] : memref<819200x128xf32, #tpu.memory_space<hbm>> -> memref<128x128xf32, #tpu.memory_space<hbm>>
      %dma_start3A_779 = arith.constant 0 : i32
      %dma_start3A_780 = arith.constant 0 : i32
      %dma_start3A_781 = tpu.memref_slice %arg6[%dma_start3A_767, %dma_start3A_779, %dma_start3A_780] : memref<5x128x128xf32, #tpu.memory_space<vmem>> -> memref<1x128x128xf32, #tpu.memory_space<vmem>>
      %dma_start3A_782 = tpu.memref_squeeze %dma_start3A_781 : memref<1x128x128xf32, #tpu.memory_space<vmem>> -> memref<128x128xf32, #tpu.memory_space<vmem>>
      tpu.enqueue_dma source(%dma_start3A_782 : memref<128x128xf32, #tpu.memory_space<vmem>>) target(%dma_start3A_778 : memref<128x128xf32, #tpu.memory_space<hbm>>) target_semaphore(%dma_start3A_776 : memref<!tpu.dma_semaphore, #tpu.memory_space<semaphore_mem>>)
      %dma_wait3A_783 = arith.constant 4 : i32
      %dma_wait3A_784 = arith.constant 4 : i32
      %dma_wait3A_785 = arith.constant 0 : i32
      %dma_wait3A_786 = arith.constant 0 : i32
      %dma_wait3A_787 = tpu.memref_slice %arg6[%dma_wait3A_783, %dma_wait3A_785, %dma_wait3A_786] : memref<5x128x128xf32, #tpu.memory_space<vmem>> -> memref<1x128x128xf32, #tpu.memory_space<vmem>>
      %dma_wait3A_788 = tpu.memref_squeeze %dma_wait3A_787 : memref<1x128x128xf32, #tpu.memory_space<vmem>> -> memref<128x128xf32, #tpu.memory_space<vmem>>
      %dma_wait3A_789 = arith.constant 0 : i32
      %dma_wait3A_790 = tpu.memref_slice %arg4[%mul3A_15, %dma_wait3A_789] : memref<819200x128xf32, #tpu.memory_space<hbm>> -> memref<128x128xf32, #tpu.memory_space<hbm>>
      %dma_wait3A_791 = tpu.memref_slice %arg8[%dma_wait3A_784] : memref<5x!tpu.dma_semaphore, #tpu.memory_space<semaphore_mem>> -> memref<1x!tpu.dma_semaphore, #tpu.memory_space<semaphore_mem>>
      %dma_wait3A_792 = tpu.memref_squeeze %dma_wait3A_791 : memref<1x!tpu.dma_semaphore, #tpu.memory_space<semaphore_mem>> -> memref<!tpu.dma_semaphore, #tpu.memory_space<semaphore_mem>>
      %dma_wait3A_793 = arith.constant 0 : i32
      %dma_wait3A_794 = tpu.memref_slice %arg4[%mul3A_15, %dma_wait3A_793] : memref<819200x128xf32, #tpu.memory_space<hbm>> -> memref<128x128xf32, #tpu.memory_space<hbm>>
      %dma_wait3A_795 = arith.constant 0 : i32
      %dma_wait3A_796 = arith.constant 0 : i32
      %dma_wait3A_797 = tpu.memref_slice %arg6[%dma_wait3A_783, %dma_wait3A_795, %dma_wait3A_796] : memref<5x128x128xf32, #tpu.memory_space<vmem>> -> memref<1x128x128xf32, #tpu.memory_space<vmem>>
      %dma_wait3A_798 = tpu.memref_squeeze %dma_wait3A_797 : memref<1x128x128xf32, #tpu.memory_space<vmem>> -> memref<128x128xf32, #tpu.memory_space<vmem>>
      tpu.wait_dma2 semaphore(%dma_wait3A_792 : memref<!tpu.dma_semaphore, #tpu.memory_space<semaphore_mem>>) src(%dma_wait3A_798 : memref<128x128xf32, #tpu.memory_space<vmem>>) dst(%dma_wait3A_794 : memref<128x128xf32, #tpu.memory_space<hbm>>)
      %add3A_799 = arith.constant 1 : i32
      %add3A_800 = arith.addi %mul3A_676, %add3A_799 : i32
      %add3A_801 = arith.constant 3 : i32
      %add3A_802 = arith.addi %add3A_800, %add3A_801 : i32
      %dma_start3A_803 = arith.constant 4 : i32
      %dma_start3A_804 = arith.constant 4 : i32
      %dma_start3A_805 = arith.constant 0 : i32
      %dma_start3A_806 = arith.constant 0 : i32
      %dma_start3A_807 = tpu.memref_slice %arg6[%dma_start3A_803, %dma_start3A_805, %dma_start3A_806] : memref<5x128x128xf32, #tpu.memory_space<vmem>> -> memref<1x128x128xf32, #tpu.memory_space<vmem>>
      %dma_start3A_808 = tpu.memref_squeeze %dma_start3A_807 : memref<1x128x128xf32, #tpu.memory_space<vmem>> -> memref<128x128xf32, #tpu.memory_space<vmem>>
      %dma_start3A_809 = arith.constant 0 : i32
      %dma_start3A_810 = tpu.memref_slice %arg5[%add3A_802, %dma_start3A_809] : memref<200x128xi32, #tpu.memory_space<vmem>> -> memref<1x128xi32, #tpu.memory_space<vmem>>
      %dma_start3A_811 = tpu.memref_squeeze %dma_start3A_810 : memref<1x128xi32, #tpu.memory_space<vmem>> -> memref<128xi32, #tpu.memory_space<vmem>>
      %dma_start3A_812 = arith.constant 0 : i32
      %dma_start3A_813 = arith.constant 0 : i32
      %dma_start3A_814 = tpu.memref_slice %arg3[%dma_start3A_812, %dma_start3A_813] : memref<100000x128xf32, #tpu.memory_space<hbm>> -> memref<100000x128xf32, #tpu.memory_space<hbm>>
      %dma_start3A_815 = tpu.memref_slice %arg7[%dma_start3A_804] : memref<5x!tpu.dma_semaphore, #tpu.memory_space<semaphore_mem>> -> memref<1x!tpu.dma_semaphore, #tpu.memory_space<semaphore_mem>>
      %dma_start3A_816 = tpu.memref_squeeze %dma_start3A_815 : memref<1x!tpu.dma_semaphore, #tpu.memory_space<semaphore_mem>> -> memref<!tpu.dma_semaphore, #tpu.memory_space<semaphore_mem>>
      tpu.enqueue_indirect_dma source(%dma_start3A_814 : memref<100000x128xf32, #tpu.memory_space<hbm>>) target(%dma_start3A_808 : memref<128x128xf32, #tpu.memory_space<vmem>>) offsets(%dma_start3A_811 : memref<128xi32, #tpu.memory_space<vmem>>) semaphore(%dma_start3A_816 : memref<!tpu.dma_semaphore, #tpu.memory_space<semaphore_mem>>)
      %dma_wait3A_817 = arith.constant 0 : i32
      %dma_wait3A_818 = arith.constant 2 : i32
      %dma_wait3A_819 = arith.constant 2 : i32
      %dma_wait3A_820 = arith.constant 0 : i32
      %dma_wait3A_821 = arith.constant 0 : i32
      %dma_wait3A_822 = tpu.memref_slice %arg6[%dma_wait3A_818, %dma_wait3A_820, %dma_wait3A_821] : memref<5x128x128xf32, #tpu.memory_space<vmem>> -> memref<1x128x128xf32, #tpu.memory_space<vmem>>
      %dma_wait3A_823 = tpu.memref_squeeze %dma_wait3A_822 : memref<1x128x128xf32, #tpu.memory_space<vmem>> -> memref<128x128xf32, #tpu.memory_space<vmem>>
      %dma_wait3A_824 = arith.constant 0 : i32
      %dma_wait3A_825 = tpu.memref_slice %arg5[%dma_wait3A_817, %dma_wait3A_824] : memref<200x128xi32, #tpu.memory_space<vmem>> -> memref<1x128xi32, #tpu.memory_space<vmem>>
      %dma_wait3A_826 = tpu.memref_squeeze %dma_wait3A_825 : memref<1x128xi32, #tpu.memory_space<vmem>> -> memref<128xi32, #tpu.memory_space<vmem>>
      %dma_wait3A_827 = arith.constant 0 : i32
      %dma_wait3A_828 = arith.constant 0 : i32
      %dma_wait3A_829 = tpu.memref_slice %arg3[%dma_wait3A_827, %dma_wait3A_828] : memref<100000x128xf32, #tpu.memory_space<hbm>> -> memref<100000x128xf32, #tpu.memory_space<hbm>>
      %dma_wait3A_830 = tpu.memref_slice %arg7[%dma_wait3A_819] : memref<5x!tpu.dma_semaphore, #tpu.memory_space<semaphore_mem>> -> memref<1x!tpu.dma_semaphore, #tpu.memory_space<semaphore_mem>>
      %dma_wait3A_831 = tpu.memref_squeeze %dma_wait3A_830 : memref<1x!tpu.dma_semaphore, #tpu.memory_space<semaphore_mem>> -> memref<!tpu.dma_semaphore, #tpu.memory_space<semaphore_mem>>
      tpu.wait_indirect_dma semaphore(%dma_wait3A_831 : memref<!tpu.dma_semaphore, #tpu.memory_space<semaphore_mem>>) src(%dma_wait3A_829 : memref<100000x128xf32, #tpu.memory_space<hbm>>) dst(%dma_wait3A_823 : memref<128x128xf32, #tpu.memory_space<vmem>>)
      %add3A_832 = arith.constant 2 : i32
      %add3A_833 = arith.addi %mul3A_676, %add3A_832 : i32
      %mul3A_834 = arith.constant 128 : i32
      %mul3A_835 = arith.muli %add3A_833, %mul3A_834 : i32
      %add3A_836 = arith.addi %mul3A_15, %mul3A_835 : i32
      %dma_start3A_837 = arith.constant 2 : i32
      %dma_start3A_838 = arith.constant 2 : i32
      %dma_start3A_839 = arith.constant 0 : i32
      %dma_start3A_840 = arith.constant 0 : i32
      %dma_start3A_841 = tpu.memref_slice %arg6[%dma_start3A_837, %dma_start3A_839, %dma_start3A_840] : memref<5x128x128xf32, #tpu.memory_space<vmem>> -> memref<1x128x128xf32, #tpu.memory_space<vmem>>
      %dma_start3A_842 = tpu.memref_squeeze %dma_start3A_841 : memref<1x128x128xf32, #tpu.memory_space<vmem>> -> memref<128x128xf32, #tpu.memory_space<vmem>>
      %dma_start3A_843 = arith.constant 0 : i32
      %dma_start3A_844 = tpu.memref_slice %arg4[%add3A_836, %dma_start3A_843] : memref<819200x128xf32, #tpu.memory_space<hbm>> -> memref<128x128xf32, #tpu.memory_space<hbm>>
      %dma_start3A_845 = tpu.memref_slice %arg8[%dma_start3A_838] : memref<5x!tpu.dma_semaphore, #tpu.memory_space<semaphore_mem>> -> memref<1x!tpu.dma_semaphore, #tpu.memory_space<semaphore_mem>>
      %dma_start3A_846 = tpu.memref_squeeze %dma_start3A_845 : memref<1x!tpu.dma_semaphore, #tpu.memory_space<semaphore_mem>> -> memref<!tpu.dma_semaphore, #tpu.memory_space<semaphore_mem>>
      %dma_start3A_847 = arith.constant 0 : i32
      %dma_start3A_848 = tpu.memref_slice %arg4[%add3A_836, %dma_start3A_847] : memref<819200x128xf32, #tpu.memory_space<hbm>> -> memref<128x128xf32, #tpu.memory_space<hbm>>
      %dma_start3A_849 = arith.constant 0 : i32
      %dma_start3A_850 = arith.constant 0 : i32
      %dma_start3A_851 = tpu.memref_slice %arg6[%dma_start3A_837, %dma_start3A_849, %dma_start3A_850] : memref<5x128x128xf32, #tpu.memory_space<vmem>> -> memref<1x128x128xf32, #tpu.memory_space<vmem>>
      %dma_start3A_852 = tpu.memref_squeeze %dma_start3A_851 : memref<1x128x128xf32, #tpu.memory_space<vmem>> -> memref<128x128xf32, #tpu.memory_space<vmem>>
      tpu.enqueue_dma source(%dma_start3A_852 : memref<128x128xf32, #tpu.memory_space<vmem>>) target(%dma_start3A_848 : memref<128x128xf32, #tpu.memory_space<hbm>>) target_semaphore(%dma_start3A_846 : memref<!tpu.dma_semaphore, #tpu.memory_space<semaphore_mem>>)
      %dma_wait3A_853 = arith.constant 0 : i32
      %dma_wait3A_854 = arith.constant 0 : i32
      %dma_wait3A_855 = arith.constant 0 : i32
      %dma_wait3A_856 = arith.constant 0 : i32
      %dma_wait3A_857 = tpu.memref_slice %arg6[%dma_wait3A_853, %dma_wait3A_855, %dma_wait3A_856] : memref<5x128x128xf32, #tpu.memory_space<vmem>> -> memref<1x128x128xf32, #tpu.memory_space<vmem>>
      %dma_wait3A_858 = tpu.memref_squeeze %dma_wait3A_857 : memref<1x128x128xf32, #tpu.memory_space<vmem>> -> memref<128x128xf32, #tpu.memory_space<vmem>>
      %dma_wait3A_859 = arith.constant 0 : i32
      %dma_wait3A_860 = tpu.memref_slice %arg4[%mul3A_15, %dma_wait3A_859] : memref<819200x128xf32, #tpu.memory_space<hbm>> -> memref<128x128xf32, #tpu.memory_space<hbm>>
      %dma_wait3A_861 = tpu.memref_slice %arg8[%dma_wait3A_854] : memref<5x!tpu.dma_semaphore, #tpu.memory_space<semaphore_mem>> -> memref<1x!tpu.dma_semaphore, #tpu.memory_space<semaphore_mem>>
      %dma_wait3A_862 = tpu.memref_squeeze %dma_wait3A_861 : memref<1x!tpu.dma_semaphore, #tpu.memory_space<semaphore_mem>> -> memref<!tpu.dma_semaphore, #tpu.memory_space<semaphore_mem>>
      %dma_wait3A_863 = arith.constant 0 : i32
      %dma_wait3A_864 = tpu.memref_slice %arg4[%mul3A_15, %dma_wait3A_863] : memref<819200x128xf32, #tpu.memory_space<hbm>> -> memref<128x128xf32, #tpu.memory_space<hbm>>
      %dma_wait3A_865 = arith.constant 0 : i32
      %dma_wait3A_866 = arith.constant 0 : i32
      %dma_wait3A_867 = tpu.memref_slice %arg6[%dma_wait3A_853, %dma_wait3A_865, %dma_wait3A_866] : memref<5x128x128xf32, #tpu.memory_space<vmem>> -> memref<1x128x128xf32, #tpu.memory_space<vmem>>
      %dma_wait3A_868 = tpu.memref_squeeze %dma_wait3A_867 : memref<1x128x128xf32, #tpu.memory_space<vmem>> -> memref<128x128xf32, #tpu.memory_space<vmem>>
      tpu.wait_dma2 semaphore(%dma_wait3A_862 : memref<!tpu.dma_semaphore, #tpu.memory_space<semaphore_mem>>) src(%dma_wait3A_868 : memref<128x128xf32, #tpu.memory_space<vmem>>) dst(%dma_wait3A_864 : memref<128x128xf32, #tpu.memory_space<hbm>>)
      %add3A_869 = arith.constant 2 : i32
      %add3A_870 = arith.addi %mul3A_676, %add3A_869 : i32
      %add3A_871 = arith.constant 3 : i32
      %add3A_872 = arith.addi %add3A_870, %add3A_871 : i32
      %dma_start3A_873 = arith.constant 0 : i32
      %dma_start3A_874 = arith.constant 0 : i32
      %dma_start3A_875 = arith.constant 0 : i32
      %dma_start3A_876 = arith.constant 0 : i32
      %dma_start3A_877 = tpu.memref_slice %arg6[%dma_start3A_873, %dma_start3A_875, %dma_start3A_876] : memref<5x128x128xf32, #tpu.memory_space<vmem>> -> memref<1x128x128xf32, #tpu.memory_space<vmem>>
      %dma_start3A_878 = tpu.memref_squeeze %dma_start3A_877 : memref<1x128x128xf32, #tpu.memory_space<vmem>> -> memref<128x128xf32, #tpu.memory_space<vmem>>
      %dma_start3A_879 = arith.constant 0 : i32
      %dma_start3A_880 = tpu.memref_slice %arg5[%add3A_872, %dma_start3A_879] : memref<200x128xi32, #tpu.memory_space<vmem>> -> memref<1x128xi32, #tpu.memory_space<vmem>>
      %dma_start3A_881 = tpu.memref_squeeze %dma_start3A_880 : memref<1x128xi32, #tpu.memory_space<vmem>> -> memref<128xi32, #tpu.memory_space<vmem>>
      %dma_start3A_882 = arith.constant 0 : i32
      %dma_start3A_883 = arith.constant 0 : i32
      %dma_start3A_884 = tpu.memref_slice %arg3[%dma_start3A_882, %dma_start3A_883] : memref<100000x128xf32, #tpu.memory_space<hbm>> -> memref<100000x128xf32, #tpu.memory_space<hbm>>
      %dma_start3A_885 = tpu.memref_slice %arg7[%dma_start3A_874] : memref<5x!tpu.dma_semaphore, #tpu.memory_space<semaphore_mem>> -> memref<1x!tpu.dma_semaphore, #tpu.memory_space<semaphore_mem>>
      %dma_start3A_886 = tpu.memref_squeeze %dma_start3A_885 : memref<1x!tpu.dma_semaphore, #tpu.memory_space<semaphore_mem>> -> memref<!tpu.dma_semaphore, #tpu.memory_space<semaphore_mem>>
      tpu.enqueue_indirect_dma source(%dma_start3A_884 : memref<100000x128xf32, #tpu.memory_space<hbm>>) target(%dma_start3A_878 : memref<128x128xf32, #tpu.memory_space<vmem>>) offsets(%dma_start3A_881 : memref<128xi32, #tpu.memory_space<vmem>>) semaphore(%dma_start3A_886 : memref<!tpu.dma_semaphore, #tpu.memory_space<semaphore_mem>>)
      %dma_wait3A_887 = arith.constant 0 : i32
      %dma_wait3A_888 = arith.constant 3 : i32
      %dma_wait3A_889 = arith.constant 3 : i32
      %dma_wait3A_890 = arith.constant 0 : i32
      %dma_wait3A_891 = arith.constant 0 : i32
      %dma_wait3A_892 = tpu.memref_slice %arg6[%dma_wait3A_888, %dma_wait3A_890, %dma_wait3A_891] : memref<5x128x128xf32, #tpu.memory_space<vmem>> -> memref<1x128x128xf32, #tpu.memory_space<vmem>>
      %dma_wait3A_893 = tpu.memref_squeeze %dma_wait3A_892 : memref<1x128x128xf32, #tpu.memory_space<vmem>> -> memref<128x128xf32, #tpu.memory_space<vmem>>
      %dma_wait3A_894 = arith.constant 0 : i32
      %dma_wait3A_895 = tpu.memref_slice %arg5[%dma_wait3A_887, %dma_wait3A_894] : memref<200x128xi32, #tpu.memory_space<vmem>> -> memref<1x128xi32, #tpu.memory_space<vmem>>
      %dma_wait3A_896 = tpu.memref_squeeze %dma_wait3A_895 : memref<1x128xi32, #tpu.memory_space<vmem>> -> memref<128xi32, #tpu.memory_space<vmem>>
      %dma_wait3A_897 = arith.constant 0 : i32
      %dma_wait3A_898 = arith.constant 0 : i32
      %dma_wait3A_899 = tpu.memref_slice %arg3[%dma_wait3A_897, %dma_wait3A_898] : memref<100000x128xf32, #tpu.memory_space<hbm>> -> memref<100000x128xf32, #tpu.memory_space<hbm>>
      %dma_wait3A_900 = tpu.memref_slice %arg7[%dma_wait3A_889] : memref<5x!tpu.dma_semaphore, #tpu.memory_space<semaphore_mem>> -> memref<1x!tpu.dma_semaphore, #tpu.memory_space<semaphore_mem>>
      %dma_wait3A_901 = tpu.memref_squeeze %dma_wait3A_900 : memref<1x!tpu.dma_semaphore, #tpu.memory_space<semaphore_mem>> -> memref<!tpu.dma_semaphore, #tpu.memory_space<semaphore_mem>>
      tpu.wait_indirect_dma semaphore(%dma_wait3A_901 : memref<!tpu.dma_semaphore, #tpu.memory_space<semaphore_mem>>) src(%dma_wait3A_899 : memref<100000x128xf32, #tpu.memory_space<hbm>>) dst(%dma_wait3A_893 : memref<128x128xf32, #tpu.memory_space<vmem>>)
      %add3A_902 = arith.constant 3 : i32
      %add3A_903 = arith.addi %mul3A_676, %add3A_902 : i32
      %mul3A_904 = arith.constant 128 : i32
      %mul3A_905 = arith.muli %add3A_903, %mul3A_904 : i32
      %add3A_906 = arith.addi %mul3A_15, %mul3A_905 : i32
      %dma_start3A_907 = arith.constant 3 : i32
      %dma_start3A_908 = arith.constant 3 : i32
      %dma_start3A_909 = arith.constant 0 : i32
      %dma_start3A_910 = arith.constant 0 : i32
      %dma_start3A_911 = tpu.memref_slice %arg6[%dma_start3A_907, %dma_start3A_909, %dma_start3A_910] : memref<5x128x128xf32, #tpu.memory_space<vmem>> -> memref<1x128x128xf32, #tpu.memory_space<vmem>>
      %dma_start3A_912 = tpu.memref_squeeze %dma_start3A_911 : memref<1x128x128xf32, #tpu.memory_space<vmem>> -> memref<128x128xf32, #tpu.memory_space<vmem>>
      %dma_start3A_913 = arith.constant 0 : i32
      %dma_start3A_914 = tpu.memref_slice %arg4[%add3A_906, %dma_start3A_913] : memref<819200x128xf32, #tpu.memory_space<hbm>> -> memref<128x128xf32, #tpu.memory_space<hbm>>
      %dma_start3A_915 = tpu.memref_slice %arg8[%dma_start3A_908] : memref<5x!tpu.dma_semaphore, #tpu.memory_space<semaphore_mem>> -> memref<1x!tpu.dma_semaphore, #tpu.memory_space<semaphore_mem>>
      %dma_start3A_916 = tpu.memref_squeeze %dma_start3A_915 : memref<1x!tpu.dma_semaphore, #tpu.memory_space<semaphore_mem>> -> memref<!tpu.dma_semaphore, #tpu.memory_space<semaphore_mem>>
      %dma_start3A_917 = arith.constant 0 : i32
      %dma_start3A_918 = tpu.memref_slice %arg4[%add3A_906, %dma_start3A_917] : memref<819200x128xf32, #tpu.memory_space<hbm>> -> memref<128x128xf32, #tpu.memory_space<hbm>>
      %dma_start3A_919 = arith.constant 0 : i32
      %dma_start3A_920 = arith.constant 0 : i32
      %dma_start3A_921 = tpu.memref_slice %arg6[%dma_start3A_907, %dma_start3A_919, %dma_start3A_920] : memref<5x128x128xf32, #tpu.memory_space<vmem>> -> memref<1x128x128xf32, #tpu.memory_space<vmem>>
      %dma_start3A_922 = tpu.memref_squeeze %dma_start3A_921 : memref<1x128x128xf32, #tpu.memory_space<vmem>> -> memref<128x128xf32, #tpu.memory_space<vmem>>
      tpu.enqueue_dma source(%dma_start3A_922 : memref<128x128xf32, #tpu.memory_space<vmem>>) target(%dma_start3A_918 : memref<128x128xf32, #tpu.memory_space<hbm>>) target_semaphore(%dma_start3A_916 : memref<!tpu.dma_semaphore, #tpu.memory_space<semaphore_mem>>)
      %dma_wait3A_923 = arith.constant 1 : i32
      %dma_wait3A_924 = arith.constant 1 : i32
      %dma_wait3A_925 = arith.constant 0 : i32
      %dma_wait3A_926 = arith.constant 0 : i32
      %dma_wait3A_927 = tpu.memref_slice %arg6[%dma_wait3A_923, %dma_wait3A_925, %dma_wait3A_926] : memref<5x128x128xf32, #tpu.memory_space<vmem>> -> memref<1x128x128xf32, #tpu.memory_space<vmem>>
      %dma_wait3A_928 = tpu.memref_squeeze %dma_wait3A_927 : memref<1x128x128xf32, #tpu.memory_space<vmem>> -> memref<128x128xf32, #tpu.memory_space<vmem>>
      %dma_wait3A_929 = arith.constant 0 : i32
      %dma_wait3A_930 = tpu.memref_slice %arg4[%mul3A_15, %dma_wait3A_929] : memref<819200x128xf32, #tpu.memory_space<hbm>> -> memref<128x128xf32, #tpu.memory_space<hbm>>
      %dma_wait3A_931 = tpu.memref_slice %arg8[%dma_wait3A_924] : memref<5x!tpu.dma_semaphore, #tpu.memory_space<semaphore_mem>> -> memref<1x!tpu.dma_semaphore, #tpu.memory_space<semaphore_mem>>
      %dma_wait3A_932 = tpu.memref_squeeze %dma_wait3A_931 : memref<1x!tpu.dma_semaphore, #tpu.memory_space<semaphore_mem>> -> memref<!tpu.dma_semaphore, #tpu.memory_space<semaphore_mem>>
      %dma_wait3A_933 = arith.constant 0 : i32
      %dma_wait3A_934 = tpu.memref_slice %arg4[%mul3A_15, %dma_wait3A_933] : memref<819200x128xf32, #tpu.memory_space<hbm>> -> memref<128x128xf32, #tpu.memory_space<hbm>>
      %dma_wait3A_935 = arith.constant 0 : i32
      %dma_wait3A_936 = arith.constant 0 : i32
      %dma_wait3A_937 = tpu.memref_slice %arg6[%dma_wait3A_923, %dma_wait3A_935, %dma_wait3A_936] : memref<5x128x128xf32, #tpu.memory_space<vmem>> -> memref<1x128x128xf32, #tpu.memory_space<vmem>>
      %dma_wait3A_938 = tpu.memref_squeeze %dma_wait3A_937 : memref<1x128x128xf32, #tpu.memory_space<vmem>> -> memref<128x128xf32, #tpu.memory_space<vmem>>
      tpu.wait_dma2 semaphore(%dma_wait3A_932 : memref<!tpu.dma_semaphore, #tpu.memory_space<semaphore_mem>>) src(%dma_wait3A_938 : memref<128x128xf32, #tpu.memory_space<vmem>>) dst(%dma_wait3A_934 : memref<128x128xf32, #tpu.memory_space<hbm>>)
      %add3A_939 = arith.constant 3 : i32
      %add3A_940 = arith.addi %mul3A_676, %add3A_939 : i32
      %add3A_941 = arith.constant 3 : i32
      %add3A_942 = arith.addi %add3A_940, %add3A_941 : i32
      %dma_start3A_943 = arith.constant 1 : i32
      %dma_start3A_944 = arith.constant 1 : i32
      %dma_start3A_945 = arith.constant 0 : i32
      %dma_start3A_946 = arith.constant 0 : i32
      %dma_start3A_947 = tpu.memref_slice %arg6[%dma_start3A_943, %dma_start3A_945, %dma_start3A_946] : memref<5x128x128xf32, #tpu.memory_space<vmem>> -> memref<1x128x128xf32, #tpu.memory_space<vmem>>
      %dma_start3A_948 = tpu.memref_squeeze %dma_start3A_947 : memref<1x128x128xf32, #tpu.memory_space<vmem>> -> memref<128x128xf32, #tpu.memory_space<vmem>>
      %dma_start3A_949 = arith.constant 0 : i32
      %dma_start3A_950 = tpu.memref_slice %arg5[%add3A_942, %dma_start3A_949] : memref<200x128xi32, #tpu.memory_space<vmem>> -> memref<1x128xi32, #tpu.memory_space<vmem>>
      %dma_start3A_951 = tpu.memref_squeeze %dma_start3A_950 : memref<1x128xi32, #tpu.memory_space<vmem>> -> memref<128xi32, #tpu.memory_space<vmem>>
      %dma_start3A_952 = arith.constant 0 : i32
      %dma_start3A_953 = arith.constant 0 : i32
      %dma_start3A_954 = tpu.memref_slice %arg3[%dma_start3A_952, %dma_start3A_953] : memref<100000x128xf32, #tpu.memory_space<hbm>> -> memref<100000x128xf32, #tpu.memory_space<hbm>>
      %dma_start3A_955 = tpu.memref_slice %arg7[%dma_start3A_944] : memref<5x!tpu.dma_semaphore, #tpu.memory_space<semaphore_mem>> -> memref<1x!tpu.dma_semaphore, #tpu.memory_space<semaphore_mem>>
      %dma_start3A_956 = tpu.memref_squeeze %dma_start3A_955 : memref<1x!tpu.dma_semaphore, #tpu.memory_space<semaphore_mem>> -> memref<!tpu.dma_semaphore, #tpu.memory_space<semaphore_mem>>
      tpu.enqueue_indirect_dma source(%dma_start3A_954 : memref<100000x128xf32, #tpu.memory_space<hbm>>) target(%dma_start3A_948 : memref<128x128xf32, #tpu.memory_space<vmem>>) offsets(%dma_start3A_951 : memref<128xi32, #tpu.memory_space<vmem>>) semaphore(%dma_start3A_956 : memref<!tpu.dma_semaphore, #tpu.memory_space<semaphore_mem>>)
      %dma_wait3A_957 = arith.constant 0 : i32
      %dma_wait3A_958 = arith.constant 4 : i32
      %dma_wait3A_959 = arith.constant 4 : i32
      %dma_wait3A_960 = arith.constant 0 : i32
      %dma_wait3A_961 = arith.constant 0 : i32
      %dma_wait3A_962 = tpu.memref_slice %arg6[%dma_wait3A_958, %dma_wait3A_960, %dma_wait3A_961] : memref<5x128x128xf32, #tpu.memory_space<vmem>> -> memref<1x128x128xf32, #tpu.memory_space<vmem>>
      %dma_wait3A_963 = tpu.memref_squeeze %dma_wait3A_962 : memref<1x128x128xf32, #tpu.memory_space<vmem>> -> memref<128x128xf32, #tpu.memory_space<vmem>>
      %dma_wait3A_964 = arith.constant 0 : i32
      %dma_wait3A_965 = tpu.memref_slice %arg5[%dma_wait3A_957, %dma_wait3A_964] : memref<200x128xi32, #tpu.memory_space<vmem>> -> memref<1x128xi32, #tpu.memory_space<vmem>>
      %dma_wait3A_966 = tpu.memref_squeeze %dma_wait3A_965 : memref<1x128xi32, #tpu.memory_space<vmem>> -> memref<128xi32, #tpu.memory_space<vmem>>
      %dma_wait3A_967 = arith.constant 0 : i32
      %dma_wait3A_968 = arith.constant 0 : i32
      %dma_wait3A_969 = tpu.memref_slice %arg3[%dma_wait3A_967, %dma_wait3A_968] : memref<100000x128xf32, #tpu.memory_space<hbm>> -> memref<100000x128xf32, #tpu.memory_space<hbm>>
      %dma_wait3A_970 = tpu.memref_slice %arg7[%dma_wait3A_959] : memref<5x!tpu.dma_semaphore, #tpu.memory_space<semaphore_mem>> -> memref<1x!tpu.dma_semaphore, #tpu.memory_space<semaphore_mem>>
      %dma_wait3A_971 = tpu.memref_squeeze %dma_wait3A_970 : memref<1x!tpu.dma_semaphore, #tpu.memory_space<semaphore_mem>> -> memref<!tpu.dma_semaphore, #tpu.memory_space<semaphore_mem>>
      tpu.wait_indirect_dma semaphore(%dma_wait3A_971 : memref<!tpu.dma_semaphore, #tpu.memory_space<semaphore_mem>>) src(%dma_wait3A_969 : memref<100000x128xf32, #tpu.memory_space<hbm>>) dst(%dma_wait3A_963 : memref<128x128xf32, #tpu.memory_space<vmem>>)
      %add3A_972 = arith.constant 4 : i32
      %add3A_973 = arith.addi %mul3A_676, %add3A_972 : i32
      %mul3A_974 = arith.constant 128 : i32
      %mul3A_975 = arith.muli %add3A_973, %mul3A_974 : i32
      %add3A_976 = arith.addi %mul3A_15, %mul3A_975 : i32
      %dma_start3A_977 = arith.constant 4 : i32
      %dma_start3A_978 = arith.constant 4 : i32
      %dma_start3A_979 = arith.constant 0 : i32
      %dma_start3A_980 = arith.constant 0 : i32
      %dma_start3A_981 = tpu.memref_slice %arg6[%dma_start3A_977, %dma_start3A_979, %dma_start3A_980] : memref<5x128x128xf32, #tpu.memory_space<vmem>> -> memref<1x128x128xf32, #tpu.memory_space<vmem>>
      %dma_start3A_982 = tpu.memref_squeeze %dma_start3A_981 : memref<1x128x128xf32, #tpu.memory_space<vmem>> -> memref<128x128xf32, #tpu.memory_space<vmem>>
      %dma_start3A_983 = arith.constant 0 : i32
      %dma_start3A_984 = tpu.memref_slice %arg4[%add3A_976, %dma_start3A_983] : memref<819200x128xf32, #tpu.memory_space<hbm>> -> memref<128x128xf32, #tpu.memory_space<hbm>>
      %dma_start3A_985 = tpu.memref_slice %arg8[%dma_start3A_978] : memref<5x!tpu.dma_semaphore, #tpu.memory_space<semaphore_mem>> -> memref<1x!tpu.dma_semaphore, #tpu.memory_space<semaphore_mem>>
      %dma_start3A_986 = tpu.memref_squeeze %dma_start3A_985 : memref<1x!tpu.dma_semaphore, #tpu.memory_space<semaphore_mem>> -> memref<!tpu.dma_semaphore, #tpu.memory_space<semaphore_mem>>
      %dma_start3A_987 = arith.constant 0 : i32
      %dma_start3A_988 = tpu.memref_slice %arg4[%add3A_976, %dma_start3A_987] : memref<819200x128xf32, #tpu.memory_space<hbm>> -> memref<128x128xf32, #tpu.memory_space<hbm>>
      %dma_start3A_989 = arith.constant 0 : i32
      %dma_start3A_990 = arith.constant 0 : i32
      %dma_start3A_991 = tpu.memref_slice %arg6[%dma_start3A_977, %dma_start3A_989, %dma_start3A_990] : memref<5x128x128xf32, #tpu.memory_space<vmem>> -> memref<1x128x128xf32, #tpu.memory_space<vmem>>
      %dma_start3A_992 = tpu.memref_squeeze %dma_start3A_991 : memref<1x128x128xf32, #tpu.memory_space<vmem>> -> memref<128x128xf32, #tpu.memory_space<vmem>>
      tpu.enqueue_dma source(%dma_start3A_992 : memref<128x128xf32, #tpu.memory_space<vmem>>) target(%dma_start3A_988 : memref<128x128xf32, #tpu.memory_space<hbm>>) target_semaphore(%dma_start3A_986 : memref<!tpu.dma_semaphore, #tpu.memory_space<semaphore_mem>>)
      %dma_wait3A_993 = arith.constant 2 : i32
      %dma_wait3A_994 = arith.constant 2 : i32
      %dma_wait3A_995 = arith.constant 0 : i32
      %dma_wait3A_996 = arith.constant 0 : i32
      %dma_wait3A_997 = tpu.memref_slice %arg6[%dma_wait3A_993, %dma_wait3A_995, %dma_wait3A_996] : memref<5x128x128xf32, #tpu.memory_space<vmem>> -> memref<1x128x128xf32, #tpu.memory_space<vmem>>
      %dma_wait3A_998 = tpu.memref_squeeze %dma_wait3A_997 : memref<1x128x128xf32, #tpu.memory_space<vmem>> -> memref<128x128xf32, #tpu.memory_space<vmem>>
      %dma_wait3A_999 = arith.constant 0 : i32
      %dma_wait3A_1000 = tpu.memref_slice %arg4[%mul3A_15, %dma_wait3A_999] : memref<819200x128xf32, #tpu.memory_space<hbm>> -> memref<128x128xf32, #tpu.memory_space<hbm>>
      %dma_wait3A_1001 = tpu.memref_slice %arg8[%dma_wait3A_994] : memref<5x!tpu.dma_semaphore, #tpu.memory_space<semaphore_mem>> -> memref<1x!tpu.dma_semaphore, #tpu.memory_space<semaphore_mem>>
      %dma_wait3A_1002 = tpu.memref_squeeze %dma_wait3A_1001 : memref<1x!tpu.dma_semaphore, #tpu.memory_space<semaphore_mem>> -> memref<!tpu.dma_semaphore, #tpu.memory_space<semaphore_mem>>
      %dma_wait3A_1003 = arith.constant 0 : i32
      %dma_wait3A_1004 = tpu.memref_slice %arg4[%mul3A_15, %dma_wait3A_1003] : memref<819200x128xf32, #tpu.memory_space<hbm>> -> memref<128x128xf32, #tpu.memory_space<hbm>>
      %dma_wait3A_1005 = arith.constant 0 : i32
      %dma_wait3A_1006 = arith.constant 0 : i32
      %dma_wait3A_1007 = tpu.memref_slice %arg6[%dma_wait3A_993, %dma_wait3A_1005, %dma_wait3A_1006] : memref<5x128x128xf32, #tpu.memory_space<vmem>> -> memref<1x128x128xf32, #tpu.memory_space<vmem>>
      %dma_wait3A_1008 = tpu.memref_squeeze %dma_wait3A_1007 : memref<1x128x128xf32, #tpu.memory_space<vmem>> -> memref<128x128xf32, #tpu.memory_space<vmem>>
      tpu.wait_dma2 semaphore(%dma_wait3A_1002 : memref<!tpu.dma_semaphore, #tpu.memory_space<semaphore_mem>>) src(%dma_wait3A_1008 : memref<128x128xf32, #tpu.memory_space<vmem>>) dst(%dma_wait3A_1004 : memref<128x128xf32, #tpu.memory_space<hbm>>)
      %add3A_1009 = arith.constant 4 : i32
      %add3A_1010 = arith.addi %mul3A_676, %add3A_1009 : i32
      %add3A_1011 = arith.constant 3 : i32
      %add3A_1012 = arith.addi %add3A_1010, %add3A_1011 : i32
      %dma_start3A_1013 = arith.constant 2 : i32
      %dma_start3A_1014 = arith.constant 2 : i32
      %dma_start3A_1015 = arith.constant 0 : i32
      %dma_start3A_1016 = arith.constant 0 : i32
      %dma_start3A_1017 = tpu.memref_slice %arg6[%dma_start3A_1013, %dma_start3A_1015, %dma_start3A_1016] : memref<5x128x128xf32, #tpu.memory_space<vmem>> -> memref<1x128x128xf32, #tpu.memory_space<vmem>>
      %dma_start3A_1018 = tpu.memref_squeeze %dma_start3A_1017 : memref<1x128x128xf32, #tpu.memory_space<vmem>> -> memref<128x128xf32, #tpu.memory_space<vmem>>
      %dma_start3A_1019 = arith.constant 0 : i32
      %dma_start3A_1020 = tpu.memref_slice %arg5[%add3A_1012, %dma_start3A_1019] : memref<200x128xi32, #tpu.memory_space<vmem>> -> memref<1x128xi32, #tpu.memory_space<vmem>>
      %dma_start3A_1021 = tpu.memref_squeeze %dma_start3A_1020 : memref<1x128xi32, #tpu.memory_space<vmem>> -> memref<128xi32, #tpu.memory_space<vmem>>
      %dma_start3A_1022 = arith.constant 0 : i32
      %dma_start3A_1023 = arith.constant 0 : i32
      %dma_start3A_1024 = tpu.memref_slice %arg3[%dma_start3A_1022, %dma_start3A_1023] : memref<100000x128xf32, #tpu.memory_space<hbm>> -> memref<100000x128xf32, #tpu.memory_space<hbm>>
      %dma_start3A_1025 = tpu.memref_slice %arg7[%dma_start3A_1014] : memref<5x!tpu.dma_semaphore, #tpu.memory_space<semaphore_mem>> -> memref<1x!tpu.dma_semaphore, #tpu.memory_space<semaphore_mem>>
      %dma_start3A_1026 = tpu.memref_squeeze %dma_start3A_1025 : memref<1x!tpu.dma_semaphore, #tpu.memory_space<semaphore_mem>> -> memref<!tpu.dma_semaphore, #tpu.memory_space<semaphore_mem>>
      tpu.enqueue_indirect_dma source(%dma_start3A_1024 : memref<100000x128xf32, #tpu.memory_space<hbm>>) target(%dma_start3A_1018 : memref<128x128xf32, #tpu.memory_space<vmem>>) offsets(%dma_start3A_1021 : memref<128xi32, #tpu.memory_space<vmem>>) semaphore(%dma_start3A_1026 : memref<!tpu.dma_semaphore, #tpu.memory_space<semaphore_mem>>)
    }
    %scan3A_366 = arith.constant 38 : i32
    %dma_wait3A_367 = arith.constant 0 : i32
    %dma_wait3A_368 = arith.constant 0 : i32
    %dma_wait3A_369 = arith.constant 0 : i32
    %dma_wait3A_370 = arith.constant 0 : i32
    %dma_wait3A_371 = arith.constant 0 : i32
    %dma_wait3A_372 = tpu.memref_slice %arg6[%dma_wait3A_368, %dma_wait3A_370, %dma_wait3A_371] : memref<5x128x128xf32, #tpu.memory_space<vmem>> -> memref<1x128x128xf32, #tpu.memory_space<vmem>>
    %dma_wait3A_373 = tpu.memref_squeeze %dma_wait3A_372 : memref<1x128x128xf32, #tpu.memory_space<vmem>> -> memref<128x128xf32, #tpu.memory_space<vmem>>
    %dma_wait3A_374 = arith.constant 0 : i32
    %dma_wait3A_375 = tpu.memref_slice %arg5[%dma_wait3A_367, %dma_wait3A_374] : memref<200x128xi32, #tpu.memory_space<vmem>> -> memref<1x128xi32, #tpu.memory_space<vmem>>
    %dma_wait3A_376 = tpu.memref_squeeze %dma_wait3A_375 : memref<1x128xi32, #tpu.memory_space<vmem>> -> memref<128xi32, #tpu.memory_space<vmem>>
    %dma_wait3A_377 = arith.constant 0 : i32
    %dma_wait3A_378 = arith.constant 0 : i32
    %dma_wait3A_379 = tpu.memref_slice %arg3[%dma_wait3A_377, %dma_wait3A_378] : memref<100000x128xf32, #tpu.memory_space<hbm>> -> memref<100000x128xf32, #tpu.memory_space<hbm>>
    %dma_wait3A_380 = tpu.memref_slice %arg7[%dma_wait3A_369] : memref<5x!tpu.dma_semaphore, #tpu.memory_space<semaphore_mem>> -> memref<1x!tpu.dma_semaphore, #tpu.memory_space<semaphore_mem>>
    %dma_wait3A_381 = tpu.memref_squeeze %dma_wait3A_380 : memref<1x!tpu.dma_semaphore, #tpu.memory_space<semaphore_mem>> -> memref<!tpu.dma_semaphore, #tpu.memory_space<semaphore_mem>>
    tpu.wait_indirect_dma semaphore(%dma_wait3A_381 : memref<!tpu.dma_semaphore, #tpu.memory_space<semaphore_mem>>) src(%dma_wait3A_379 : memref<100000x128xf32, #tpu.memory_space<hbm>>) dst(%dma_wait3A_373 : memref<128x128xf32, #tpu.memory_space<vmem>>)
    %add3A_382 = arith.constant 24960 : i32
    %add3A_383 = arith.addi %mul3A_15, %add3A_382 : i32
    %dma_start3A_384 = arith.constant 0 : i32
    %dma_start3A_385 = arith.constant 0 : i32
    %dma_start3A_386 = arith.constant 0 : i32
    %dma_start3A_387 = arith.constant 0 : i32
    %dma_start3A_388 = tpu.memref_slice %arg6[%dma_start3A_384, %dma_start3A_386, %dma_start3A_387] : memref<5x128x128xf32, #tpu.memory_space<vmem>> -> memref<1x128x128xf32, #tpu.memory_space<vmem>>
    %dma_start3A_389 = tpu.memref_squeeze %dma_start3A_388 : memref<1x128x128xf32, #tpu.memory_space<vmem>> -> memref<128x128xf32, #tpu.memory_space<vmem>>
    %dma_start3A_390 = arith.constant 0 : i32
    %dma_start3A_391 = tpu.memref_slice %arg4[%add3A_383, %dma_start3A_390] : memref<819200x128xf32, #tpu.memory_space<hbm>> -> memref<128x128xf32, #tpu.memory_space<hbm>>
    %dma_start3A_392 = tpu.memref_slice %arg8[%dma_start3A_385] : memref<5x!tpu.dma_semaphore, #tpu.memory_space<semaphore_mem>> -> memref<1x!tpu.dma_semaphore, #tpu.memory_space<semaphore_mem>>
    %dma_start3A_393 = tpu.memref_squeeze %dma_start3A_392 : memref<1x!tpu.dma_semaphore, #tpu.memory_space<semaphore_mem>> -> memref<!tpu.dma_semaphore, #tpu.memory_space<semaphore_mem>>
    %dma_start3A_394 = arith.constant 0 : i32
    %dma_start3A_395 = tpu.memref_slice %arg4[%add3A_383, %dma_start3A_394] : memref<819200x128xf32, #tpu.memory_space<hbm>> -> memref<128x128xf32, #tpu.memory_space<hbm>>
    %dma_start3A_396 = arith.constant 0 : i32
    %dma_start3A_397 = arith.constant 0 : i32
    %dma_start3A_398 = tpu.memref_slice %arg6[%dma_start3A_384, %dma_start3A_396, %dma_start3A_397] : memref<5x128x128xf32, #tpu.memory_space<vmem>> -> memref<1x128x128xf32, #tpu.memory_space<vmem>>
    %dma_start3A_399 = tpu.memref_squeeze %dma_start3A_398 : memref<1x128x128xf32, #tpu.memory_space<vmem>> -> memref<128x128xf32, #tpu.memory_space<vmem>>
    tpu.enqueue_dma source(%dma_start3A_399 : memref<128x128xf32, #tpu.memory_space<vmem>>) target(%dma_start3A_395 : memref<128x128xf32, #tpu.memory_space<hbm>>) target_semaphore(%dma_start3A_393 : memref<!tpu.dma_semaphore, #tpu.memory_space<semaphore_mem>>)
    %dma_wait3A_400 = arith.constant 3 : i32
    %dma_wait3A_401 = arith.constant 3 : i32
    %dma_wait3A_402 = arith.constant 0 : i32
    %dma_wait3A_403 = arith.constant 0 : i32
    %dma_wait3A_404 = tpu.memref_slice %arg6[%dma_wait3A_400, %dma_wait3A_402, %dma_wait3A_403] : memref<5x128x128xf32, #tpu.memory_space<vmem>> -> memref<1x128x128xf32, #tpu.memory_space<vmem>>
    %dma_wait3A_405 = tpu.memref_squeeze %dma_wait3A_404 : memref<1x128x128xf32, #tpu.memory_space<vmem>> -> memref<128x128xf32, #tpu.memory_space<vmem>>
    %dma_wait3A_406 = arith.constant 0 : i32
    %dma_wait3A_407 = tpu.memref_slice %arg4[%mul3A_15, %dma_wait3A_406] : memref<819200x128xf32, #tpu.memory_space<hbm>> -> memref<128x128xf32, #tpu.memory_space<hbm>>
    %dma_wait3A_408 = tpu.memref_slice %arg8[%dma_wait3A_401] : memref<5x!tpu.dma_semaphore, #tpu.memory_space<semaphore_mem>> -> memref<1x!tpu.dma_semaphore, #tpu.memory_space<semaphore_mem>>
    %dma_wait3A_409 = tpu.memref_squeeze %dma_wait3A_408 : memref<1x!tpu.dma_semaphore, #tpu.memory_space<semaphore_mem>> -> memref<!tpu.dma_semaphore, #tpu.memory_space<semaphore_mem>>
    %dma_wait3A_410 = arith.constant 0 : i32
    %dma_wait3A_411 = tpu.memref_slice %arg4[%mul3A_15, %dma_wait3A_410] : memref<819200x128xf32, #tpu.memory_space<hbm>> -> memref<128x128xf32, #tpu.memory_space<hbm>>
    %dma_wait3A_412 = arith.constant 0 : i32
    %dma_wait3A_413 = arith.constant 0 : i32
    %dma_wait3A_414 = tpu.memref_slice %arg6[%dma_wait3A_400, %dma_wait3A_412, %dma_wait3A_413] : memref<5x128x128xf32, #tpu.memory_space<vmem>> -> memref<1x128x128xf32, #tpu.memory_space<vmem>>
    %dma_wait3A_415 = tpu.memref_squeeze %dma_wait3A_414 : memref<1x128x128xf32, #tpu.memory_space<vmem>> -> memref<128x128xf32, #tpu.memory_space<vmem>>
    tpu.wait_dma2 semaphore(%dma_wait3A_409 : memref<!tpu.dma_semaphore, #tpu.memory_space<semaphore_mem>>) src(%dma_wait3A_415 : memref<128x128xf32, #tpu.memory_space<vmem>>) dst(%dma_wait3A_411 : memref<128x128xf32, #tpu.memory_space<hbm>>)
    %dma_start3A_416 = arith.constant 198 : i32
    %dma_start3A_417 = arith.constant 3 : i32
    %dma_start3A_418 = arith.constant 3 : i32
    %dma_start3A_419 = arith.constant 0 : i32
    %dma_start3A_420 = arith.constant 0 : i32
    %dma_start3A_421 = tpu.memref_slice %arg6[%dma_start3A_417, %dma_start3A_419, %dma_start3A_420] : memref<5x128x128xf32, #tpu.memory_space<vmem>> -> memref<1x128x128xf32, #tpu.memory_space<vmem>>
    %dma_start3A_422 = tpu.memref_squeeze %dma_start3A_421 : memref<1x128x128xf32, #tpu.memory_space<vmem>> -> memref<128x128xf32, #tpu.memory_space<vmem>>
    %dma_start3A_423 = arith.constant 0 : i32
    %dma_start3A_424 = tpu.memref_slice %arg5[%dma_start3A_416, %dma_start3A_423] : memref<200x128xi32, #tpu.memory_space<vmem>> -> memref<1x128xi32, #tpu.memory_space<vmem>>
    %dma_start3A_425 = tpu.memref_squeeze %dma_start3A_424 : memref<1x128xi32, #tpu.memory_space<vmem>> -> memref<128xi32, #tpu.memory_space<vmem>>
    %dma_start3A_426 = arith.constant 0 : i32
    %dma_start3A_427 = arith.constant 0 : i32
    %dma_start3A_428 = tpu.memref_slice %arg3[%dma_start3A_426, %dma_start3A_427] : memref<100000x128xf32, #tpu.memory_space<hbm>> -> memref<100000x128xf32, #tpu.memory_space<hbm>>
    %dma_start3A_429 = tpu.memref_slice %arg7[%dma_start3A_418] : memref<5x!tpu.dma_semaphore, #tpu.memory_space<semaphore_mem>> -> memref<1x!tpu.dma_semaphore, #tpu.memory_space<semaphore_mem>>
    %dma_start3A_430 = tpu.memref_squeeze %dma_start3A_429 : memref<1x!tpu.dma_semaphore, #tpu.memory_space<semaphore_mem>> -> memref<!tpu.dma_semaphore, #tpu.memory_space<semaphore_mem>>
    tpu.enqueue_indirect_dma source(%dma_start3A_428 : memref<100000x128xf32, #tpu.memory_space<hbm>>) target(%dma_start3A_422 : memref<128x128xf32, #tpu.memory_space<vmem>>) offsets(%dma_start3A_425 : memref<128xi32, #tpu.memory_space<vmem>>) semaphore(%dma_start3A_430 : memref<!tpu.dma_semaphore, #tpu.memory_space<semaphore_mem>>)
    %dma_wait3A_431 = arith.constant 0 : i32
    %dma_wait3A_432 = arith.constant 1 : i32
    %dma_wait3A_433 = arith.constant 1 : i32
    %dma_wait3A_434 = arith.constant 0 : i32
    %dma_wait3A_435 = arith.constant 0 : i32
    %dma_wait3A_436 = tpu.memref_slice %arg6[%dma_wait3A_432, %dma_wait3A_434, %dma_wait3A_435] : memref<5x128x128xf32, #tpu.memory_space<vmem>> -> memref<1x128x128xf32, #tpu.memory_space<vmem>>
    %dma_wait3A_437 = tpu.memref_squeeze %dma_wait3A_436 : memref<1x128x128xf32, #tpu.memory_space<vmem>> -> memref<128x128xf32, #tpu.memory_space<vmem>>
    %dma_wait3A_438 = arith.constant 0 : i32
    %dma_wait3A_439 = tpu.memref_slice %arg5[%dma_wait3A_431, %dma_wait3A_438] : memref<200x128xi32, #tpu.memory_space<vmem>> -> memref<1x128xi32, #tpu.memory_space<vmem>>
    %dma_wait3A_440 = tpu.memref_squeeze %dma_wait3A_439 : memref<1x128xi32, #tpu.memory_space<vmem>> -> memref<128xi32, #tpu.memory_space<vmem>>
    %dma_wait3A_441 = arith.constant 0 : i32
    %dma_wait3A_442 = arith.constant 0 : i32
    %dma_wait3A_443 = tpu.memref_slice %arg3[%dma_wait3A_441, %dma_wait3A_442] : memref<100000x128xf32, #tpu.memory_space<hbm>> -> memref<100000x128xf32, #tpu.memory_space<hbm>>
    %dma_wait3A_444 = tpu.memref_slice %arg7[%dma_wait3A_433] : memref<5x!tpu.dma_semaphore, #tpu.memory_space<semaphore_mem>> -> memref<1x!tpu.dma_semaphore, #tpu.memory_space<semaphore_mem>>
    %dma_wait3A_445 = tpu.memref_squeeze %dma_wait3A_444 : memref<1x!tpu.dma_semaphore, #tpu.memory_space<semaphore_mem>> -> memref<!tpu.dma_semaphore, #tpu.memory_space<semaphore_mem>>
    tpu.wait_indirect_dma semaphore(%dma_wait3A_445 : memref<!tpu.dma_semaphore, #tpu.memory_space<semaphore_mem>>) src(%dma_wait3A_443 : memref<100000x128xf32, #tpu.memory_space<hbm>>) dst(%dma_wait3A_437 : memref<128x128xf32, #tpu.memory_space<vmem>>)
    %add3A_446 = arith.constant 25088 : i32
    %add3A_447 = arith.addi %mul3A_15, %add3A_446 : i32
    %dma_start3A_448 = arith.constant 1 : i32
    %dma_start3A_449 = arith.constant 1 : i32
    %dma_start3A_450 = arith.constant 0 : i32
    %dma_start3A_451 = arith.constant 0 : i32
    %dma_start3A_452 = tpu.memref_slice %arg6[%dma_start3A_448, %dma_start3A_450, %dma_start3A_451] : memref<5x128x128xf32, #tpu.memory_space<vmem>> -> memref<1x128x128xf32, #tpu.memory_space<vmem>>
    %dma_start3A_453 = tpu.memref_squeeze %dma_start3A_452 : memref<1x128x128xf32, #tpu.memory_space<vmem>> -> memref<128x128xf32, #tpu.memory_space<vmem>>
    %dma_start3A_454 = arith.constant 0 : i32
    %dma_start3A_455 = tpu.memref_slice %arg4[%add3A_447, %dma_start3A_454] : memref<819200x128xf32, #tpu.memory_space<hbm>> -> memref<128x128xf32, #tpu.memory_space<hbm>>
    %dma_start3A_456 = tpu.memref_slice %arg8[%dma_start3A_449] : memref<5x!tpu.dma_semaphore, #tpu.memory_space<semaphore_mem>> -> memref<1x!tpu.dma_semaphore, #tpu.memory_space<semaphore_mem>>
    %dma_start3A_457 = tpu.memref_squeeze %dma_start3A_456 : memref<1x!tpu.dma_semaphore, #tpu.memory_space<semaphore_mem>> -> memref<!tpu.dma_semaphore, #tpu.memory_space<semaphore_mem>>
    %dma_start3A_458 = arith.constant 0 : i32
    %dma_start3A_459 = tpu.memref_slice %arg4[%add3A_447, %dma_start3A_458] : memref<819200x128xf32, #tpu.memory_space<hbm>> -> memref<128x128xf32, #tpu.memory_space<hbm>>
    %dma_start3A_460 = arith.constant 0 : i32
    %dma_start3A_461 = arith.constant 0 : i32
    %dma_start3A_462 = tpu.memref_slice %arg6[%dma_start3A_448, %dma_start3A_460, %dma_start3A_461] : memref<5x128x128xf32, #tpu.memory_space<vmem>> -> memref<1x128x128xf32, #tpu.memory_space<vmem>>
    %dma_start3A_463 = tpu.memref_squeeze %dma_start3A_462 : memref<1x128x128xf32, #tpu.memory_space<vmem>> -> memref<128x128xf32, #tpu.memory_space<vmem>>
    tpu.enqueue_dma source(%dma_start3A_463 : memref<128x128xf32, #tpu.memory_space<vmem>>) target(%dma_start3A_459 : memref<128x128xf32, #tpu.memory_space<hbm>>) target_semaphore(%dma_start3A_457 : memref<!tpu.dma_semaphore, #tpu.memory_space<semaphore_mem>>)
    %dma_wait3A_464 = arith.constant 4 : i32
    %dma_wait3A_465 = arith.constant 4 : i32
    %dma_wait3A_466 = arith.constant 0 : i32
    %dma_wait3A_467 = arith.constant 0 : i32
    %dma_wait3A_468 = tpu.memref_slice %arg6[%dma_wait3A_464, %dma_wait3A_466, %dma_wait3A_467] : memref<5x128x128xf32, #tpu.memory_space<vmem>> -> memref<1x128x128xf32, #tpu.memory_space<vmem>>
    %dma_wait3A_469 = tpu.memref_squeeze %dma_wait3A_468 : memref<1x128x128xf32, #tpu.memory_space<vmem>> -> memref<128x128xf32, #tpu.memory_space<vmem>>
    %dma_wait3A_470 = arith.constant 0 : i32
    %dma_wait3A_471 = tpu.memref_slice %arg4[%mul3A_15, %dma_wait3A_470] : memref<819200x128xf32, #tpu.memory_space<hbm>> -> memref<128x128xf32, #tpu.memory_space<hbm>>
    %dma_wait3A_472 = tpu.memref_slice %arg8[%dma_wait3A_465] : memref<5x!tpu.dma_semaphore, #tpu.memory_space<semaphore_mem>> -> memref<1x!tpu.dma_semaphore, #tpu.memory_space<semaphore_mem>>
    %dma_wait3A_473 = tpu.memref_squeeze %dma_wait3A_472 : memref<1x!tpu.dma_semaphore, #tpu.memory_space<semaphore_mem>> -> memref<!tpu.dma_semaphore, #tpu.memory_space<semaphore_mem>>
    %dma_wait3A_474 = arith.constant 0 : i32
    %dma_wait3A_475 = tpu.memref_slice %arg4[%mul3A_15, %dma_wait3A_474] : memref<819200x128xf32, #tpu.memory_space<hbm>> -> memref<128x128xf32, #tpu.memory_space<hbm>>
    %dma_wait3A_476 = arith.constant 0 : i32
    %dma_wait3A_477 = arith.constant 0 : i32
    %dma_wait3A_478 = tpu.memref_slice %arg6[%dma_wait3A_464, %dma_wait3A_476, %dma_wait3A_477] : memref<5x128x128xf32, #tpu.memory_space<vmem>> -> memref<1x128x128xf32, #tpu.memory_space<vmem>>
    %dma_wait3A_479 = tpu.memref_squeeze %dma_wait3A_478 : memref<1x128x128xf32, #tpu.memory_space<vmem>> -> memref<128x128xf32, #tpu.memory_space<vmem>>
    tpu.wait_dma2 semaphore(%dma_wait3A_473 : memref<!tpu.dma_semaphore, #tpu.memory_space<semaphore_mem>>) src(%dma_wait3A_479 : memref<128x128xf32, #tpu.memory_space<vmem>>) dst(%dma_wait3A_475 : memref<128x128xf32, #tpu.memory_space<hbm>>)
    %dma_start3A_480 = arith.constant 199 : i32
    %dma_start3A_481 = arith.constant 4 : i32
    %dma_start3A_482 = arith.constant 4 : i32
    %dma_start3A_483 = arith.constant 0 : i32
    %dma_start3A_484 = arith.constant 0 : i32
    %dma_start3A_485 = tpu.memref_slice %arg6[%dma_start3A_481, %dma_start3A_483, %dma_start3A_484] : memref<5x128x128xf32, #tpu.memory_space<vmem>> -> memref<1x128x128xf32, #tpu.memory_space<vmem>>
    %dma_start3A_486 = tpu.memref_squeeze %dma_start3A_485 : memref<1x128x128xf32, #tpu.memory_space<vmem>> -> memref<128x128xf32, #tpu.memory_space<vmem>>
    %dma_start3A_487 = arith.constant 0 : i32
    %dma_start3A_488 = tpu.memref_slice %arg5[%dma_start3A_480, %dma_start3A_487] : memref<200x128xi32, #tpu.memory_space<vmem>> -> memref<1x128xi32, #tpu.memory_space<vmem>>
    %dma_start3A_489 = tpu.memref_squeeze %dma_start3A_488 : memref<1x128xi32, #tpu.memory_space<vmem>> -> memref<128xi32, #tpu.memory_space<vmem>>
    %dma_start3A_490 = arith.constant 0 : i32
    %dma_start3A_491 = arith.constant 0 : i32
    %dma_start3A_492 = tpu.memref_slice %arg3[%dma_start3A_490, %dma_start3A_491] : memref<100000x128xf32, #tpu.memory_space<hbm>> -> memref<100000x128xf32, #tpu.memory_space<hbm>>
    %dma_start3A_493 = tpu.memref_slice %arg7[%dma_start3A_482] : memref<5x!tpu.dma_semaphore, #tpu.memory_space<semaphore_mem>> -> memref<1x!tpu.dma_semaphore, #tpu.memory_space<semaphore_mem>>
    %dma_start3A_494 = tpu.memref_squeeze %dma_start3A_493 : memref<1x!tpu.dma_semaphore, #tpu.memory_space<semaphore_mem>> -> memref<!tpu.dma_semaphore, #tpu.memory_space<semaphore_mem>>
    tpu.enqueue_indirect_dma source(%dma_start3A_492 : memref<100000x128xf32, #tpu.memory_space<hbm>>) target(%dma_start3A_486 : memref<128x128xf32, #tpu.memory_space<vmem>>) offsets(%dma_start3A_489 : memref<128xi32, #tpu.memory_space<vmem>>) semaphore(%dma_start3A_494 : memref<!tpu.dma_semaphore, #tpu.memory_space<semaphore_mem>>)
    %dma_wait3A_495 = arith.constant 0 : i32
    %dma_wait3A_496 = arith.constant 2 : i32
    %dma_wait3A_497 = arith.constant 2 : i32
    %dma_wait3A_498 = arith.constant 0 : i32
    %dma_wait3A_499 = arith.constant 0 : i32
    %dma_wait3A_500 = tpu.memref_slice %arg6[%dma_wait3A_496, %dma_wait3A_498, %dma_wait3A_499] : memref<5x128x128xf32, #tpu.memory_space<vmem>> -> memref<1x128x128xf32, #tpu.memory_space<vmem>>
    %dma_wait3A_501 = tpu.memref_squeeze %dma_wait3A_500 : memref<1x128x128xf32, #tpu.memory_space<vmem>> -> memref<128x128xf32, #tpu.memory_space<vmem>>
    %dma_wait3A_502 = arith.constant 0 : i32
    %dma_wait3A_503 = tpu.memref_slice %arg5[%dma_wait3A_495, %dma_wait3A_502] : memref<200x128xi32, #tpu.memory_space<vmem>> -> memref<1x128xi32, #tpu.memory_space<vmem>>
    %dma_wait3A_504 = tpu.memref_squeeze %dma_wait3A_503 : memref<1x128xi32, #tpu.memory_space<vmem>> -> memref<128xi32, #tpu.memory_space<vmem>>
    %dma_wait3A_505 = arith.constant 0 : i32
    %dma_wait3A_506 = arith.constant 0 : i32
    %dma_wait3A_507 = tpu.memref_slice %arg3[%dma_wait3A_505, %dma_wait3A_506] : memref<100000x128xf32, #tpu.memory_space<hbm>> -> memref<100000x128xf32, #tpu.memory_space<hbm>>
    %dma_wait3A_508 = tpu.memref_slice %arg7[%dma_wait3A_497] : memref<5x!tpu.dma_semaphore, #tpu.memory_space<semaphore_mem>> -> memref<1x!tpu.dma_semaphore, #tpu.memory_space<semaphore_mem>>
    %dma_wait3A_509 = tpu.memref_squeeze %dma_wait3A_508 : memref<1x!tpu.dma_semaphore, #tpu.memory_space<semaphore_mem>> -> memref<!tpu.dma_semaphore, #tpu.memory_space<semaphore_mem>>
    tpu.wait_indirect_dma semaphore(%dma_wait3A_509 : memref<!tpu.dma_semaphore, #tpu.memory_space<semaphore_mem>>) src(%dma_wait3A_507 : memref<100000x128xf32, #tpu.memory_space<hbm>>) dst(%dma_wait3A_501 : memref<128x128xf32, #tpu.memory_space<vmem>>)
    %add3A_510 = arith.constant 25216 : i32
    %add3A_511 = arith.addi %mul3A_15, %add3A_510 : i32
    %dma_start3A_512 = arith.constant 2 : i32
    %dma_start3A_513 = arith.constant 2 : i32
    %dma_start3A_514 = arith.constant 0 : i32
    %dma_start3A_515 = arith.constant 0 : i32
    %dma_start3A_516 = tpu.memref_slice %arg6[%dma_start3A_512, %dma_start3A_514, %dma_start3A_515] : memref<5x128x128xf32, #tpu.memory_space<vmem>> -> memref<1x128x128xf32, #tpu.memory_space<vmem>>
    %dma_start3A_517 = tpu.memref_squeeze %dma_start3A_516 : memref<1x128x128xf32, #tpu.memory_space<vmem>> -> memref<128x128xf32, #tpu.memory_space<vmem>>
    %dma_start3A_518 = arith.constant 0 : i32
    %dma_start3A_519 = tpu.memref_slice %arg4[%add3A_511, %dma_start3A_518] : memref<819200x128xf32, #tpu.memory_space<hbm>> -> memref<128x128xf32, #tpu.memory_space<hbm>>
    %dma_start3A_520 = tpu.memref_slice %arg8[%dma_start3A_513] : memref<5x!tpu.dma_semaphore, #tpu.memory_space<semaphore_mem>> -> memref<1x!tpu.dma_semaphore, #tpu.memory_space<semaphore_mem>>
    %dma_start3A_521 = tpu.memref_squeeze %dma_start3A_520 : memref<1x!tpu.dma_semaphore, #tpu.memory_space<semaphore_mem>> -> memref<!tpu.dma_semaphore, #tpu.memory_space<semaphore_mem>>
    %dma_start3A_522 = arith.constant 0 : i32
    %dma_start3A_523 = tpu.memref_slice %arg4[%add3A_511, %dma_start3A_522] : memref<819200x128xf32, #tpu.memory_space<hbm>> -> memref<128x128xf32, #tpu.memory_space<hbm>>
    %dma_start3A_524 = arith.constant 0 : i32
    %dma_start3A_525 = arith.constant 0 : i32
    %dma_start3A_526 = tpu.memref_slice %arg6[%dma_start3A_512, %dma_start3A_524, %dma_start3A_525] : memref<5x128x128xf32, #tpu.memory_space<vmem>> -> memref<1x128x128xf32, #tpu.memory_space<vmem>>
    %dma_start3A_527 = tpu.memref_squeeze %dma_start3A_526 : memref<1x128x128xf32, #tpu.memory_space<vmem>> -> memref<128x128xf32, #tpu.memory_space<vmem>>
    tpu.enqueue_dma source(%dma_start3A_527 : memref<128x128xf32, #tpu.memory_space<vmem>>) target(%dma_start3A_523 : memref<128x128xf32, #tpu.memory_space<hbm>>) target_semaphore(%dma_start3A_521 : memref<!tpu.dma_semaphore, #tpu.memory_space<semaphore_mem>>)
    %dma_wait3A_528 = arith.constant 0 : i32
    %dma_wait3A_529 = arith.constant 3 : i32
    %dma_wait3A_530 = arith.constant 3 : i32
    %dma_wait3A_531 = arith.constant 0 : i32
    %dma_wait3A_532 = arith.constant 0 : i32
    %dma_wait3A_533 = tpu.memref_slice %arg6[%dma_wait3A_529, %dma_wait3A_531, %dma_wait3A_532] : memref<5x128x128xf32, #tpu.memory_space<vmem>> -> memref<1x128x128xf32, #tpu.memory_space<vmem>>
    %dma_wait3A_534 = tpu.memref_squeeze %dma_wait3A_533 : memref<1x128x128xf32, #tpu.memory_space<vmem>> -> memref<128x128xf32, #tpu.memory_space<vmem>>
    %dma_wait3A_535 = arith.constant 0 : i32
    %dma_wait3A_536 = tpu.memref_slice %arg5[%dma_wait3A_528, %dma_wait3A_535] : memref<200x128xi32, #tpu.memory_space<vmem>> -> memref<1x128xi32, #tpu.memory_space<vmem>>
    %dma_wait3A_537 = tpu.memref_squeeze %dma_wait3A_536 : memref<1x128xi32, #tpu.memory_space<vmem>> -> memref<128xi32, #tpu.memory_space<vmem>>
    %dma_wait3A_538 = arith.constant 0 : i32
    %dma_wait3A_539 = arith.constant 0 : i32
    %dma_wait3A_540 = tpu.memref_slice %arg3[%dma_wait3A_538, %dma_wait3A_539] : memref<100000x128xf32, #tpu.memory_space<hbm>> -> memref<100000x128xf32, #tpu.memory_space<hbm>>
    %dma_wait3A_541 = tpu.memref_slice %arg7[%dma_wait3A_530] : memref<5x!tpu.dma_semaphore, #tpu.memory_space<semaphore_mem>> -> memref<1x!tpu.dma_semaphore, #tpu.memory_space<semaphore_mem>>
    %dma_wait3A_542 = tpu.memref_squeeze %dma_wait3A_541 : memref<1x!tpu.dma_semaphore, #tpu.memory_space<semaphore_mem>> -> memref<!tpu.dma_semaphore, #tpu.memory_space<semaphore_mem>>
    tpu.wait_indirect_dma semaphore(%dma_wait3A_542 : memref<!tpu.dma_semaphore, #tpu.memory_space<semaphore_mem>>) src(%dma_wait3A_540 : memref<100000x128xf32, #tpu.memory_space<hbm>>) dst(%dma_wait3A_534 : memref<128x128xf32, #tpu.memory_space<vmem>>)
    %add3A_543 = arith.constant 25344 : i32
    %add3A_544 = arith.addi %mul3A_15, %add3A_543 : i32
    %dma_start3A_545 = arith.constant 3 : i32
    %dma_start3A_546 = arith.constant 3 : i32
    %dma_start3A_547 = arith.constant 0 : i32
    %dma_start3A_548 = arith.constant 0 : i32
    %dma_start3A_549 = tpu.memref_slice %arg6[%dma_start3A_545, %dma_start3A_547, %dma_start3A_548] : memref<5x128x128xf32, #tpu.memory_space<vmem>> -> memref<1x128x128xf32, #tpu.memory_space<vmem>>
    %dma_start3A_550 = tpu.memref_squeeze %dma_start3A_549 : memref<1x128x128xf32, #tpu.memory_space<vmem>> -> memref<128x128xf32, #tpu.memory_space<vmem>>
    %dma_start3A_551 = arith.constant 0 : i32
    %dma_start3A_552 = tpu.memref_slice %arg4[%add3A_544, %dma_start3A_551] : memref<819200x128xf32, #tpu.memory_space<hbm>> -> memref<128x128xf32, #tpu.memory_space<hbm>>
    %dma_start3A_553 = tpu.memref_slice %arg8[%dma_start3A_546] : memref<5x!tpu.dma_semaphore, #tpu.memory_space<semaphore_mem>> -> memref<1x!tpu.dma_semaphore, #tpu.memory_space<semaphore_mem>>
    %dma_start3A_554 = tpu.memref_squeeze %dma_start3A_553 : memref<1x!tpu.dma_semaphore, #tpu.memory_space<semaphore_mem>> -> memref<!tpu.dma_semaphore, #tpu.memory_space<semaphore_mem>>
    %dma_start3A_555 = arith.constant 0 : i32
    %dma_start3A_556 = tpu.memref_slice %arg4[%add3A_544, %dma_start3A_555] : memref<819200x128xf32, #tpu.memory_space<hbm>> -> memref<128x128xf32, #tpu.memory_space<hbm>>
    %dma_start3A_557 = arith.constant 0 : i32
    %dma_start3A_558 = arith.constant 0 : i32
    %dma_start3A_559 = tpu.memref_slice %arg6[%dma_start3A_545, %dma_start3A_557, %dma_start3A_558] : memref<5x128x128xf32, #tpu.memory_space<vmem>> -> memref<1x128x128xf32, #tpu.memory_space<vmem>>
    %dma_start3A_560 = tpu.memref_squeeze %dma_start3A_559 : memref<1x128x128xf32, #tpu.memory_space<vmem>> -> memref<128x128xf32, #tpu.memory_space<vmem>>
    tpu.enqueue_dma source(%dma_start3A_560 : memref<128x128xf32, #tpu.memory_space<vmem>>) target(%dma_start3A_556 : memref<128x128xf32, #tpu.memory_space<hbm>>) target_semaphore(%dma_start3A_554 : memref<!tpu.dma_semaphore, #tpu.memory_space<semaphore_mem>>)
    %dma_wait3A_561 = arith.constant 0 : i32
    %dma_wait3A_562 = arith.constant 4 : i32
    %dma_wait3A_563 = arith.constant 4 : i32
    %dma_wait3A_564 = arith.constant 0 : i32
    %dma_wait3A_565 = arith.constant 0 : i32
    %dma_wait3A_566 = tpu.memref_slice %arg6[%dma_wait3A_562, %dma_wait3A_564, %dma_wait3A_565] : memref<5x128x128xf32, #tpu.memory_space<vmem>> -> memref<1x128x128xf32, #tpu.memory_space<vmem>>
    %dma_wait3A_567 = tpu.memref_squeeze %dma_wait3A_566 : memref<1x128x128xf32, #tpu.memory_space<vmem>> -> memref<128x128xf32, #tpu.memory_space<vmem>>
    %dma_wait3A_568 = arith.constant 0 : i32
    %dma_wait3A_569 = tpu.memref_slice %arg5[%dma_wait3A_561, %dma_wait3A_568] : memref<200x128xi32, #tpu.memory_space<vmem>> -> memref<1x128xi32, #tpu.memory_space<vmem>>
    %dma_wait3A_570 = tpu.memref_squeeze %dma_wait3A_569 : memref<1x128xi32, #tpu.memory_space<vmem>> -> memref<128xi32, #tpu.memory_space<vmem>>
    %dma_wait3A_571 = arith.constant 0 : i32
    %dma_wait3A_572 = arith.constant 0 : i32
    %dma_wait3A_573 = tpu.memref_slice %arg3[%dma_wait3A_571, %dma_wait3A_572] : memref<100000x128xf32, #tpu.memory_space<hbm>> -> memref<100000x128xf32, #tpu.memory_space<hbm>>
    %dma_wait3A_574 = tpu.memref_slice %arg7[%dma_wait3A_563] : memref<5x!tpu.dma_semaphore, #tpu.memory_space<semaphore_mem>> -> memref<1x!tpu.dma_semaphore, #tpu.memory_space<semaphore_mem>>
    %dma_wait3A_575 = tpu.memref_squeeze %dma_wait3A_574 : memref<1x!tpu.dma_semaphore, #tpu.memory_space<semaphore_mem>> -> memref<!tpu.dma_semaphore, #tpu.memory_space<semaphore_mem>>
    tpu.wait_indirect_dma semaphore(%dma_wait3A_575 : memref<!tpu.dma_semaphore, #tpu.memory_space<semaphore_mem>>) src(%dma_wait3A_573 : memref<100000x128xf32, #tpu.memory_space<hbm>>) dst(%dma_wait3A_567 : memref<128x128xf32, #tpu.memory_space<vmem>>)
    %add3A_576 = arith.constant 25472 : i32
    %add3A_577 = arith.addi %mul3A_15, %add3A_576 : i32
    %dma_start3A_578 = arith.constant 4 : i32
    %dma_start3A_579 = arith.constant 4 : i32
    %dma_start3A_580 = arith.constant 0 : i32
    %dma_start3A_581 = arith.constant 0 : i32
    %dma_start3A_582 = tpu.memref_slice %arg6[%dma_start3A_578, %dma_start3A_580, %dma_start3A_581] : memref<5x128x128xf32, #tpu.memory_space<vmem>> -> memref<1x128x128xf32, #tpu.memory_space<vmem>>
    %dma_start3A_583 = tpu.memref_squeeze %dma_start3A_582 : memref<1x128x128xf32, #tpu.memory_space<vmem>> -> memref<128x128xf32, #tpu.memory_space<vmem>>
    %dma_start3A_584 = arith.constant 0 : i32
    %dma_start3A_585 = tpu.memref_slice %arg4[%add3A_577, %dma_start3A_584] : memref<819200x128xf32, #tpu.memory_space<hbm>> -> memref<128x128xf32, #tpu.memory_space<hbm>>
    %dma_start3A_586 = tpu.memref_slice %arg8[%dma_start3A_579] : memref<5x!tpu.dma_semaphore, #tpu.memory_space<semaphore_mem>> -> memref<1x!tpu.dma_semaphore, #tpu.memory_space<semaphore_mem>>
    %dma_start3A_587 = tpu.memref_squeeze %dma_start3A_586 : memref<1x!tpu.dma_semaphore, #tpu.memory_space<semaphore_mem>> -> memref<!tpu.dma_semaphore, #tpu.memory_space<semaphore_mem>>
    %dma_start3A_588 = arith.constant 0 : i32
    %dma_start3A_589 = tpu.memref_slice %arg4[%add3A_577, %dma_start3A_588] : memref<819200x128xf32, #tpu.memory_space<hbm>> -> memref<128x128xf32, #tpu.memory_space<hbm>>
    %dma_start3A_590 = arith.constant 0 : i32
    %dma_start3A_591 = arith.constant 0 : i32
    %dma_start3A_592 = tpu.memref_slice %arg6[%dma_start3A_578, %dma_start3A_590, %dma_start3A_591] : memref<5x128x128xf32, #tpu.memory_space<vmem>> -> memref<1x128x128xf32, #tpu.memory_space<vmem>>
    %dma_start3A_593 = tpu.memref_squeeze %dma_start3A_592 : memref<1x128x128xf32, #tpu.memory_space<vmem>> -> memref<128x128xf32, #tpu.memory_space<vmem>>
    tpu.enqueue_dma source(%dma_start3A_593 : memref<128x128xf32, #tpu.memory_space<vmem>>) target(%dma_start3A_589 : memref<128x128xf32, #tpu.memory_space<hbm>>) target_semaphore(%dma_start3A_587 : memref<!tpu.dma_semaphore, #tpu.memory_space<semaphore_mem>>)
    %dma_wait3A_594 = arith.constant 0 : i32
    %dma_wait3A_595 = arith.constant 0 : i32
    %dma_wait3A_596 = arith.constant 0 : i32
    %dma_wait3A_597 = arith.constant 0 : i32
    %dma_wait3A_598 = tpu.memref_slice %arg6[%dma_wait3A_594, %dma_wait3A_596, %dma_wait3A_597] : memref<5x128x128xf32, #tpu.memory_space<vmem>> -> memref<1x128x128xf32, #tpu.memory_space<vmem>>
    %dma_wait3A_599 = tpu.memref_squeeze %dma_wait3A_598 : memref<1x128x128xf32, #tpu.memory_space<vmem>> -> memref<128x128xf32, #tpu.memory_space<vmem>>
    %dma_wait3A_600 = arith.constant 0 : i32
    %dma_wait3A_601 = tpu.memref_slice %arg4[%mul3A_15, %dma_wait3A_600] : memref<819200x128xf32, #tpu.memory_space<hbm>> -> memref<128x128xf32, #tpu.memory_space<hbm>>
    %dma_wait3A_602 = tpu.memref_slice %arg8[%dma_wait3A_595] : memref<5x!tpu.dma_semaphore, #tpu.memory_space<semaphore_mem>> -> memref<1x!tpu.dma_semaphore, #tpu.memory_space<semaphore_mem>>
    %dma_wait3A_603 = tpu.memref_squeeze %dma_wait3A_602 : memref<1x!tpu.dma_semaphore, #tpu.memory_space<semaphore_mem>> -> memref<!tpu.dma_semaphore, #tpu.memory_space<semaphore_mem>>
    %dma_wait3A_604 = arith.constant 0 : i32
    %dma_wait3A_605 = tpu.memref_slice %arg4[%mul3A_15, %dma_wait3A_604] : memref<819200x128xf32, #tpu.memory_space<hbm>> -> memref<128x128xf32, #tpu.memory_space<hbm>>
    %dma_wait3A_606 = arith.constant 0 : i32
    %dma_wait3A_607 = arith.constant 0 : i32
    %dma_wait3A_608 = tpu.memref_slice %arg6[%dma_wait3A_594, %dma_wait3A_606, %dma_wait3A_607] : memref<5x128x128xf32, #tpu.memory_space<vmem>> -> memref<1x128x128xf32, #tpu.memory_space<vmem>>
    %dma_wait3A_609 = tpu.memref_squeeze %dma_wait3A_608 : memref<1x128x128xf32, #tpu.memory_space<vmem>> -> memref<128x128xf32, #tpu.memory_space<vmem>>
    tpu.wait_dma2 semaphore(%dma_wait3A_603 : memref<!tpu.dma_semaphore, #tpu.memory_space<semaphore_mem>>) src(%dma_wait3A_609 : memref<128x128xf32, #tpu.memory_space<vmem>>) dst(%dma_wait3A_605 : memref<128x128xf32, #tpu.memory_space<hbm>>)
    %dma_wait3A_610 = arith.constant 1 : i32
    %dma_wait3A_611 = arith.constant 1 : i32
    %dma_wait3A_612 = arith.constant 0 : i32
    %dma_wait3A_613 = arith.constant 0 : i32
    %dma_wait3A_614 = tpu.memref_slice %arg6[%dma_wait3A_610, %dma_wait3A_612, %dma_wait3A_613] : memref<5x128x128xf32, #tpu.memory_space<vmem>> -> memref<1x128x128xf32, #tpu.memory_space<vmem>>
    %dma_wait3A_615 = tpu.memref_squeeze %dma_wait3A_614 : memref<1x128x128xf32, #tpu.memory_space<vmem>> -> memref<128x128xf32, #tpu.memory_space<vmem>>
    %dma_wait3A_616 = arith.constant 0 : i32
    %dma_wait3A_617 = tpu.memref_slice %arg4[%mul3A_15, %dma_wait3A_616] : memref<819200x128xf32, #tpu.memory_space<hbm>> -> memref<128x128xf32, #tpu.memory_space<hbm>>
    %dma_wait3A_618 = tpu.memref_slice %arg8[%dma_wait3A_611] : memref<5x!tpu.dma_semaphore, #tpu.memory_space<semaphore_mem>> -> memref<1x!tpu.dma_semaphore, #tpu.memory_space<semaphore_mem>>
    %dma_wait3A_619 = tpu.memref_squeeze %dma_wait3A_618 : memref<1x!tpu.dma_semaphore, #tpu.memory_space<semaphore_mem>> -> memref<!tpu.dma_semaphore, #tpu.memory_space<semaphore_mem>>
    %dma_wait3A_620 = arith.constant 0 : i32
    %dma_wait3A_621 = tpu.memref_slice %arg4[%mul3A_15, %dma_wait3A_620] : memref<819200x128xf32, #tpu.memory_space<hbm>> -> memref<128x128xf32, #tpu.memory_space<hbm>>
    %dma_wait3A_622 = arith.constant 0 : i32
    %dma_wait3A_623 = arith.constant 0 : i32
    %dma_wait3A_624 = tpu.memref_slice %arg6[%dma_wait3A_610, %dma_wait3A_622, %dma_wait3A_623] : memref<5x128x128xf32, #tpu.memory_space<vmem>> -> memref<1x128x128xf32, #tpu.memory_space<vmem>>
    %dma_wait3A_625 = tpu.memref_squeeze %dma_wait3A_624 : memref<1x128x128xf32, #tpu.memory_space<vmem>> -> memref<128x128xf32, #tpu.memory_space<vmem>>
    tpu.wait_dma2 semaphore(%dma_wait3A_619 : memref<!tpu.dma_semaphore, #tpu.memory_space<semaphore_mem>>) src(%dma_wait3A_625 : memref<128x128xf32, #tpu.memory_space<vmem>>) dst(%dma_wait3A_621 : memref<128x128xf32, #tpu.memory_space<hbm>>)
    %dma_wait3A_626 = arith.constant 2 : i32
    %dma_wait3A_627 = arith.constant 2 : i32
    %dma_wait3A_628 = arith.constant 0 : i32
    %dma_wait3A_629 = arith.constant 0 : i32
    %dma_wait3A_630 = tpu.memref_slice %arg6[%dma_wait3A_626, %dma_wait3A_628, %dma_wait3A_629] : memref<5x128x128xf32, #tpu.memory_space<vmem>> -> memref<1x128x128xf32, #tpu.memory_space<vmem>>
    %dma_wait3A_631 = tpu.memref_squeeze %dma_wait3A_630 : memref<1x128x128xf32, #tpu.memory_space<vmem>> -> memref<128x128xf32, #tpu.memory_space<vmem>>
    %dma_wait3A_632 = arith.constant 0 : i32
    %dma_wait3A_633 = tpu.memref_slice %arg4[%mul3A_15, %dma_wait3A_632] : memref<819200x128xf32, #tpu.memory_space<hbm>> -> memref<128x128xf32, #tpu.memory_space<hbm>>
    %dma_wait3A_634 = tpu.memref_slice %arg8[%dma_wait3A_627] : memref<5x!tpu.dma_semaphore, #tpu.memory_space<semaphore_mem>> -> memref<1x!tpu.dma_semaphore, #tpu.memory_space<semaphore_mem>>
    %dma_wait3A_635 = tpu.memref_squeeze %dma_wait3A_634 : memref<1x!tpu.dma_semaphore, #tpu.memory_space<semaphore_mem>> -> memref<!tpu.dma_semaphore, #tpu.memory_space<semaphore_mem>>
    %dma_wait3A_636 = arith.constant 0 : i32
    %dma_wait3A_637 = tpu.memref_slice %arg4[%mul3A_15, %dma_wait3A_636] : memref<819200x128xf32, #tpu.memory_space<hbm>> -> memref<128x128xf32, #tpu.memory_space<hbm>>
    %dma_wait3A_638 = arith.constant 0 : i32
    %dma_wait3A_639 = arith.constant 0 : i32
    %dma_wait3A_640 = tpu.memref_slice %arg6[%dma_wait3A_626, %dma_wait3A_638, %dma_wait3A_639] : memref<5x128x128xf32, #tpu.memory_space<vmem>> -> memref<1x128x128xf32, #tpu.memory_space<vmem>>
    %dma_wait3A_641 = tpu.memref_squeeze %dma_wait3A_640 : memref<1x128x128xf32, #tpu.memory_space<vmem>> -> memref<128x128xf32, #tpu.memory_space<vmem>>
    tpu.wait_dma2 semaphore(%dma_wait3A_635 : memref<!tpu.dma_semaphore, #tpu.memory_space<semaphore_mem>>) src(%dma_wait3A_641 : memref<128x128xf32, #tpu.memory_space<vmem>>) dst(%dma_wait3A_637 : memref<128x128xf32, #tpu.memory_space<hbm>>)
    %dma_wait3A_642 = arith.constant 3 : i32
    %dma_wait3A_643 = arith.constant 3 : i32
    %dma_wait3A_644 = arith.constant 0 : i32
    %dma_wait3A_645 = arith.constant 0 : i32
    %dma_wait3A_646 = tpu.memref_slice %arg6[%dma_wait3A_642, %dma_wait3A_644, %dma_wait3A_645] : memref<5x128x128xf32, #tpu.memory_space<vmem>> -> memref<1x128x128xf32, #tpu.memory_space<vmem>>
    %dma_wait3A_647 = tpu.memref_squeeze %dma_wait3A_646 : memref<1x128x128xf32, #tpu.memory_space<vmem>> -> memref<128x128xf32, #tpu.memory_space<vmem>>
    %dma_wait3A_648 = arith.constant 0 : i32
    %dma_wait3A_649 = tpu.memref_slice %arg4[%mul3A_15, %dma_wait3A_648] : memref<819200x128xf32, #tpu.memory_space<hbm>> -> memref<128x128xf32, #tpu.memory_space<hbm>>
    %dma_wait3A_650 = tpu.memref_slice %arg8[%dma_wait3A_643] : memref<5x!tpu.dma_semaphore, #tpu.memory_space<semaphore_mem>> -> memref<1x!tpu.dma_semaphore, #tpu.memory_space<semaphore_mem>>
    %dma_wait3A_651 = tpu.memref_squeeze %dma_wait3A_650 : memref<1x!tpu.dma_semaphore, #tpu.memory_space<semaphore_mem>> -> memref<!tpu.dma_semaphore, #tpu.memory_space<semaphore_mem>>
    %dma_wait3A_652 = arith.constant 0 : i32
    %dma_wait3A_653 = tpu.memref_slice %arg4[%mul3A_15, %dma_wait3A_652] : memref<819200x128xf32, #tpu.memory_space<hbm>> -> memref<128x128xf32, #tpu.memory_space<hbm>>
    %dma_wait3A_654 = arith.constant 0 : i32
    %dma_wait3A_655 = arith.constant 0 : i32
    %dma_wait3A_656 = tpu.memref_slice %arg6[%dma_wait3A_642, %dma_wait3A_654, %dma_wait3A_655] : memref<5x128x128xf32, #tpu.memory_space<vmem>> -> memref<1x128x128xf32, #tpu.memory_space<vmem>>
    %dma_wait3A_657 = tpu.memref_squeeze %dma_wait3A_656 : memref<1x128x128xf32, #tpu.memory_space<vmem>> -> memref<128x128xf32, #tpu.memory_space<vmem>>
    tpu.wait_dma2 semaphore(%dma_wait3A_651 : memref<!tpu.dma_semaphore, #tpu.memory_space<semaphore_mem>>) src(%dma_wait3A_657 : memref<128x128xf32, #tpu.memory_space<vmem>>) dst(%dma_wait3A_653 : memref<128x128xf32, #tpu.memory_space<hbm>>)
    %dma_wait3A_658 = arith.constant 4 : i32
    %dma_wait3A_659 = arith.constant 4 : i32
    %dma_wait3A_660 = arith.constant 0 : i32
    %dma_wait3A_661 = arith.constant 0 : i32
    %dma_wait3A_662 = tpu.memref_slice %arg6[%dma_wait3A_658, %dma_wait3A_660, %dma_wait3A_661] : memref<5x128x128xf32, #tpu.memory_space<vmem>> -> memref<1x128x128xf32, #tpu.memory_space<vmem>>
    %dma_wait3A_663 = tpu.memref_squeeze %dma_wait3A_662 : memref<1x128x128xf32, #tpu.memory_space<vmem>> -> memref<128x128xf32, #tpu.memory_space<vmem>>
    %dma_wait3A_664 = arith.constant 0 : i32
    %dma_wait3A_665 = tpu.memref_slice %arg4[%mul3A_15, %dma_wait3A_664] : memref<819200x128xf32, #tpu.memory_space<hbm>> -> memref<128x128xf32, #tpu.memory_space<hbm>>
    %dma_wait3A_666 = tpu.memref_slice %arg8[%dma_wait3A_659] : memref<5x!tpu.dma_semaphore, #tpu.memory_space<semaphore_mem>> -> memref<1x!tpu.dma_semaphore, #tpu.memory_space<semaphore_mem>>
    %dma_wait3A_667 = tpu.memref_squeeze %dma_wait3A_666 : memref<1x!tpu.dma_semaphore, #tpu.memory_space<semaphore_mem>> -> memref<!tpu.dma_semaphore, #tpu.memory_space<semaphore_mem>>
    %dma_wait3A_668 = arith.constant 0 : i32
    %dma_wait3A_669 = tpu.memref_slice %arg4[%mul3A_15, %dma_wait3A_668] : memref<819200x128xf32, #tpu.memory_space<hbm>> -> memref<128x128xf32, #tpu.memory_space<hbm>>
    %dma_wait3A_670 = arith.constant 0 : i32
    %dma_wait3A_671 = arith.constant 0 : i32
    %dma_wait3A_672 = tpu.memref_slice %arg6[%dma_wait3A_658, %dma_wait3A_670, %dma_wait3A_671] : memref<5x128x128xf32, #tpu.memory_space<vmem>> -> memref<1x128x128xf32, #tpu.memory_space<vmem>>
    %dma_wait3A_673 = tpu.memref_squeeze %dma_wait3A_672 : memref<1x128x128xf32, #tpu.memory_space<vmem>> -> memref<128x128xf32, #tpu.memory_space<vmem>>
    tpu.wait_dma2 semaphore(%dma_wait3A_667 : memref<!tpu.dma_semaphore, #tpu.memory_space<semaphore_mem>>) src(%dma_wait3A_673 : memref<128x128xf32, #tpu.memory_space<vmem>>) dst(%dma_wait3A_669 : memref<128x128xf32, #tpu.memory_space<hbm>>)
    return
  }
}

</mosaic_0001>

<sc_bundles>
// kernel: kernel.3.cloned.1.call-start
scs
__scs_entry_jumppad:
0x0: {  	(pc) =	sbr.rel $0x88, $3  }
0x1: {  	(tag) =	ssettag $0x0;
	lr =	simm.s32 $0x1  }
0x2: {  	[smem:$0x3F9F] =	sst lr;
	_ =	strace $0xD0000000  }
0x3: {  	_ = 	snop  }
0x4: {  	_ = 	snop  }
0x5: {  	_ = 	snop  }
0x6: {  	_ = 	snop  }
0x7: {  	_ = 	snop  }
__scs_overlays_trampoline_lowered:
0x8: {  	[smem:$0x3FAE] =	sst s0  }
0x9: {  	[smem:$0x3FAF] =	sst s1  }
0xa: {  	[smem:$0x3FB0] =	sst s2  }
0xb: {  	[smem:$0x3FB1] =	sst s3  }
0xc: {  	[smem:$0x3FB2] =	sst s4  }
0xd: {  	[smem:$0x3FB3] =	sst s5  }
0xe: {  	[smem:$0x3FB4] =	sst s6  }
0xf: {  	[smem:$0x3FB5] =	sst s7  }
0x10: {  	[smem:$0x3FB6] =	sst s8  }
0x11: {  	[smem:$0x3FB7] =	sst s9;
	s0 =	simm.s32 @!p0 $0x0  }
0x12: {  	s1 =	sld [smem:$0x3F9D];
	s0 =	simm.s32 @p0 $0x1  }
0x13: {  	[smem:$0x3FB8] =	sst s0;
	s0 =	simm.s32 @!p1 $0x0  }
0x14: {  	s2 =	sld [smem:$0x3F9C];
	s0 =	simm.s32 @p1 $0x1  }
0x15: {  	[smem:$0x3FB9] =	sst s0;
	s0 =	simm.s32 @!p2 $0x0  }
0x16: {  	s3 =	sld [smem:$0x3FDB];
	s0 =	simm.s32 @p2 $0x1  }
0x17: {  	s4 =	simm.s32 $0x1BF5;
	[smem:$0x3FBB] =	sst s0  }
0x18: {  	s0 =	sld [smem:$0x3F9E];
	_ =	swait.ge [sflag:s4], $0x0  }
0x19: {  	s7 =	sld [smem:$0x3F9F]  }
0x1a: {  	s8 =	sadd.s32 $0xFFFFE003, lr  }
0x1b: {  	s9 =	sadd.s32 $0xFFFFFEF7, lr;
	s5 =	simm.s32 $0xFFFFFFFF;
	p2 =	slt.u32 s8, $0xFFFFF086  }
0x1c: {  	p1 =	slt.u32 s9, $0xF7A;
	s5 =	simm.s32 @!p2 $0x0  }
0x1d: {  	s5 =	simm.s32 @p1 $0x1;
	p0 =	seq.s32 s7, s2  }
0x1e: {  	s7 =	smul.u32 @!p0 $0xF7A, s2;
	p2 =	seq.s32 @!p0 s5, $0x0  }
0x1f: {  	s9 =	smul.u32 $0xF7A, s1;
	s8 =	simm.s32 @!p0 $0x1BF5;
	p2 =	por !p2, p0  }
0x20: {  	[sflag:s8] =	ssyncset.s32 @!p0 $0xFFFFF086;
	s6 =	sadd.s32 @!p0 s3, s7;
	s7 =	simm.s32 @!p0 $0x108  }
0x21: {  	s3 =	sadd.s32 s3, s9;
	s6 =	sadd.s32 @!p0 $0x88, s6;
	s7 =	simm.s32 @p2 $0x1082  }
0x22: {  	[simem:s7], [sflag:s8] =	dma.local @!p0 [hbm:s6], $0xF7A  }
0x23: {  	s9 =	sor.u32 $0xD0000000, s2;
	s6 =	simm.s32 $0x108;
	_ =	swait.ge @!p0 [sflag:s8], $0x0  }
0x24: {  	s3 =	sadd.s32 $0x88, s3;
	s6 =	simm.s32 @!p1 $0x1082;
	[sflag:s4] =	ssyncset.s32 $0xFFFFF086  }
0x25: {  	[simem:s6], [sflag:s4] =	dma.local [hbm:s3], $0xF7A  }
0x26: {  	[smem:$0x3F9F] =	sst s1;
	(tag) =	ssettag s2;
	_ =	strace s9  }
0x27: {  	s1 =	sld [smem:$0x3FAF]  }
0x28: {  	s2 =	sld [smem:$0x3FB0]  }
0x29: {  	s4 =	sld [smem:$0x3FB2]  }
0x2a: {  	p0 =	seq.s32 s5, $0x0;
	s5 =	sld [smem:$0x3FB3]  }
0x2b: {  	s6 =	sld [smem:$0x3FB4]  }
0x2c: {  	s7 =	sld [smem:$0x3FB5]  }
0x2d: {  	s3 =	simm.s32 $0x108;
	s8 =	sld [smem:$0x3FB6]  }
0x2e: {  	s3 =	simm.s32 @!p0 $0x1082;
	s9 =	sld [smem:$0x3FB7]  }
0x2f: {  	lr =	sadd.s32 s0, s3;
	s0 =	sld [smem:$0x3FAE]  }
0x30: {  	s3 =	sld [smem:$0x3FB1]  }
0x31: {  	[smem:$0x3FBA] =	sst s10  }
0x32: {  	s10 =	sld [smem:$0x3FB8];
	_ =	sdelay $0x3  }
0x33: {  	p0 =	seq.s32 s10, $0x1;
	s10 =	sld [smem:$0x3FBA];
	_ =	sdelay $0x3  }
0x34: {  	[smem:$0x3FBA] =	sst s10  }
0x35: {  	s10 =	sld [smem:$0x3FB9];
	_ =	sdelay $0x3  }
0x36: {  	p1 =	seq.s32 s10, $0x1;
	s10 =	sld [smem:$0x3FBA];
	_ =	sdelay $0x3  }
0x37: {  	[smem:$0x3FBA] =	sst s10  }
0x38: {  	s10 =	sld [smem:$0x3FBB]  }
0x39: {  	_ = 	snop;
	(pc) =	sbr.ind lr, $3  }
0x3a: {  	_ = 	snop  }
0x3b: {  	_ = 	snop  }
0x3c: {  	p2 =	seq.s32 s10, $0x1;
	s10 =	sld [smem:$0x3FBA]  }
0x3d: {  	_ =	shalt  }
0x3e: {  	_ =	shalt  }
0x3f: {  	_ =	shalt  }
0x40: {  	_ =	shalt  }
0x41: {  	_ =	shalt  }
0x42: {  	_ =	shalt  }
0x43: {  	_ =	shalt  }
0x44: {  	_ =	shalt  }
0x45: {  	_ =	shalt  }
0x46: {  	_ =	shalt  }
0x47: {  	_ =	shalt  }
0x48: {  	_ =	shalt  }
0x49: {  	_ =	shalt  }
0x4a: {  	_ =	shalt  }
0x4b: {  	_ =	shalt  }
0x4c: {  	_ =	shalt  }
0x4d: {  	_ =	shalt  }
0x4e: {  	_ =	shalt  }
0x4f: {  	_ =	shalt  }
0x50: {  	_ =	shalt  }
0x51: {  	_ =	shalt  }
0x52: {  	_ =	shalt  }
0x53: {  	_ =	shalt  }
0x54: {  	_ =	shalt  }
0x55: {  	_ =	shalt  }
0x56: {  	_ =	shalt  }
0x57: {  	_ =	shalt  }
0x58: {  	_ =	shalt  }
0x59: {  	_ =	shalt  }
0x5a: {  	_ =	shalt  }
0x5b: {  	_ =	shalt  }
0x5c: {  	_ =	shalt  }
0x5d: {  	_ =	shalt  }
0x5e: {  	_ =	shalt  }
0x5f: {  	_ =	shalt  }
0x60: {  	_ =	shalt  }
0x61: {  	_ =	shalt  }
0x62: {  	_ =	shalt  }
0x63: {  	_ =	shalt  }
0x64: {  	_ =	shalt  }
0x65: {  	_ =	shalt  }
0x66: {  	_ =	shalt  }
0x67: {  	_ =	shalt  }
0x68: {  	_ =	shalt  }
0x69: {  	_ =	shalt  }
0x6a: {  	_ =	shalt  }
0x6b: {  	_ =	shalt  }
0x6c: {  	_ =	shalt  }
0x6d: {  	_ =	shalt  }
0x6e: {  	_ =	shalt  }
0x6f: {  	_ =	shalt  }
0x70: {  	_ =	shalt  }
0x71: {  	_ =	shalt  }
0x72: {  	_ =	shalt  }
0x73: {  	_ =	shalt  }
0x74: {  	_ =	shalt  }
0x75: {  	_ =	shalt  }
0x76: {  	_ =	shalt  }
0x77: {  	_ =	shalt  }
0x78: {  	_ =	shalt  }
0x79: {  	_ =	shalt  }
0x7a: {  	_ =	shalt  }
0x7b: {  	_ =	shalt  }
0x7c: {  	_ =	shalt  }
0x7d: {  	_ =	shalt  }
0x7e: {  	_ =	shalt  }
0x7f: {  	_ =	shalt  }
0x80: {  	_ =	shalt  }
0x81: {  	_ =	shalt  }
0x82: {  	_ =	shalt  }
0x83: {  	_ =	shalt  }
0x84: {  	_ =	shalt  }
0x85: {  	_ =	shalt  }
0x86: {  	_ =	shalt  }
0x87: {  	_ =	shalt  }
.Lfunc_end0:
.L_simem_size_0:
called_computation_lowered:
.L_overlay_start_0:
0x88: {  	s2 =	sld [smem:$0x3FD9]  }
0x89: {  	s3 =	sld [smem:$0x3FFE];
	_ =	sdelay $0x1  }
0x8a: {  	s1 =	srdreg.scid  }
0x8b: {  	s0 =	sand.u32 $0x1, s1  }
0x8c: {  	s17 =	sshll.u32 s0, $0xA;
	s2 =	sadd.s32 s3, s2  }
0x8d: {  	s2 =	sadd.s32 s2, s17  }
0x8e: {  	[smem:$0x3FC6] =	sst s2  }
0x8f: {  	_ = 	snop  }
0x90: {  	s2 =	sld [smem:$0x3FC8]  }
0x91: {  	s18 =	sld [smem:$0x3FD0];
	(tm) =	ssettm $0x1  }
0x92: {  	s4 =	sld [smem:$0x3FFB];
	_ =	sdelay $0x3  }
0x93: {  	_ =	strace s4  }
0x94: {  	s4 =	sld [smem:$0x3FFC];
	_ =	sdelay $0x3  }
0x95: {  	_ =	strace s4  }
0x96: {  	s4 =	sld [smem:$0x3FFD];
	_ =	sdelay $0x3  }
0x97: {  	_ =	strace s4  }
0x98: {  	_ =	strace $0x8FFFFFFF  }
0x99: {  	s19 =	sld [smem:$0x3FDB];
	_ =	sdelay $0x1  }
0x9a: {  	s5 =	simm.s32 $_scs_section_size  }
0x9b: {  	s6 =	simm.s32 $_size__tile_overlayer_lowered;
	s7 =	simm.s32 $_tile_overlayer_lowered  }
0x9c: {  	s22 =	simm.s32 $0x1BFF;
	s21 =	sshll.u32 s7, $0x1;
	s4 =	sadd.s32 s5, s19  }
0x9d: {  	s8 =	simm.s32 $0x0;
	s20 =	sshll.u32 s6, $0x1;
	s6 =	sadd.s32 s21, s4  }
0x9e: {  	[timem:s8], [sflag:s22] =	dma.local [hbm:s6], s20  }
0x9f: {  	_ =	swait.ge [sflag:s22], s20  }
0xa0: {  	s5 =	ssub.s32 $0x0, s20;
	[sflag:s22] =	ssyncset.done $0x0  }
0xa1: {  	[sflag:s22] =	ssyncadd.s32 s5;
	_ =	sdelay $0x1  }
0xa2: {  	s23 =	simm.s32 $0x1B8B  }
0xa3: {  	_ =	swait.ge [sflag:s23], $0x1  }
0xa4: {  	[sflag:s23] =	ssyncset.done $0x0  }
0xa5: {  	s25 =	simm.s32 $0x1B8E;
	s24 =	sld [smem:$0x3FFE];
	[sflag:s23] =	ssyncadd.s32 $0xFFFFFFFF  }
0xa6: {  	s26 =	simm.s32 $execute0_lowered;
	[smem:$0x3FD2] =	sst s25  }
0xa7: {  	s6 =	sshll.u32 s26, $0x1;
	_ =	strace $0x80000046;
	[dreg:$0x1] =	wrdreg $0xFFFFFFFF  }
0xa8: {  	s28 =	simm.s32 $_size_execute0_lowered;
	s4 =	sadd.s32 s4, s6;
	[dreg:$0x0] =	wrdreg $0x0  }
0xa9: {  	s6 =	sshll.u32 s28, $0x1;
	[dreg:$0x2] =	wrdreg s4  }
0xaa: {  	[dreg:$0x3] =	wrdreg s6  }
0xab: {  	[dreg:$0x4] =	wrdreg $0xC0  }
0xac: {  	_ =	task [dreg:s8], $0x5FFFF  }
0xad: {  	[dreg:$0x1] =	wrdreg $0xFFFFFFFF  }
0xae: {  	[dreg:$0x0] =	wrdreg $0x60  }
0xaf: {  	[dreg:$0x2] =	wrdreg s24  }
0xb0: {  	[dreg:$0x3] =	wrdreg s2  }
0xb1: {  	[dreg:$0x4] =	wrdreg s18  }
0xb2: {  	[dreg:$0x5] =	wrdreg $0x9  }
0xb3: {  	_ =	task.clear_ibuf [dreg:s8], $0x6FFFF;
	_ =	strace $0x90000046  }
0xb4: {  	s29 =	simm.s32 $0x9;
	_ =	strace $0x80000048  }
0xb5: {  	_ =	swait.ge [sflag:s29], $0x1  }
0xb6: {  	[sflag:s29] =	ssyncadd.s32 $0xFFFFFFFF  }
0xb7: {  	_ =	strace $0x90000048  }
0xb8: {  	_ =	sfence  }
0xb9: {  	s30 =	sld [smem:$0x0];
	_ =	sdelay $0x2  }
0xba: {  	s31 =	sshll.u32 s1, $0xD;
	s1 =	sshrl.u32 s1, $0x2  }
0xbb: {  	s3 =	sand.u32 $0x4000, s31;
	s1 =	sadd.s32 s1, s30  }
0xbc: {  	s0 =	sor.u32 s3, s0;
	s1 =	sshll.u32 s1, $0x11  }
0xbd: {  	s0 =	sor.u32 s1, s0  }
0xbe: {  	s0 =	sadd.s32 $0x8F2B, s0  }
0xbf: {  	[sflag:s0] =	ssyncadd.remote.s32 $0x1  }
0xc0: {  	_ =	sfence.sel $0xFFFF  }
0xc1: {  	[dreg:$0x0] =	wrdreg $0xFFFFFFFF;
	(pc) =	sbr.abs _section_cstart, $3  }
0xc2: {  	[dreg:$0x1] =	wrdreg $0xFFFFFFFF  }
0xc3: {  	_ =	task.clear_ibuf [dreg:s8], $0x2FFFF;
	_ =	strace $0x9FFFFFFF  }
0xc4: {  	(tm) =	ssettm $0x7FFFFFFF  }
0xc5: {  	_ =	shalt  }
tec
execute0_lowered:
.L_overlay_start_1:
0x0: {  	(tag) =	ssettag $0x1  }
0x1: {  	s0 =	rddreg [dreg:$0x0]  }
0x2: {  	s2 =	rddreg [dreg:$0x1];
	s1 =	srdreg.scid  }
0x3: {  	s10 =	stileid.u32;
	s4 =	rddreg [dreg:$0x2];
	s3 =	simm.s32 $0x0  }
0x4: {  	s28 =	simm.s32 $0x12400;
	s1 =	sand.u32 $0x1, s1;
	s5 =	sshll.u32 s10, $0x1  }
0x5: {  	s29 =	simm.s32 $0x2;
	s22 =	smul.u32 $0xC8000, s10;
	s5 =	sor.u32 s1, s5  }
0x6: {  	s31 =	simm.s32 $0x16400;
	s30 =	simm.s32 $0x8;
	s6 =	smul.u32 $0x6400, s5  }
0x7: {  	[smem:$0x7FF] =	sst s3;
	s7 =	ssub.s32 $0x2, s1;
	s9 =	smul.u32 $0x64000, s5  }
0x8: {  	_ =	strace $0x80000047;
	s8 =	sshrl.u32 s7, $0x1;
	s5 =	smul.u32 $0x320000, s5  }
0x9: {  	s1 =	smul.u32 $0x64000, s1;
	s7 =	ssub.s32 s7, s8;
	s6 =	sshrl.u32 s6, $0x3  }
0xa: {  	s8 =	simm.s32 $0x0;
	s20 =	sshrl.u32 s5, $0x3;
	s0 =	sadd.s32 s6, s0  }
0xb: {  	s16 =	smax.u32 s7, $0x1;
	s5 =	simm.s32 $0x9;
	s6 =	sadd.s32 $0x400, s0  }
0xc: {  	s7 =	simm.s32 $0xA;
	s0 =	sadd.s32 $0x480, s0;
	[dreg:$0x4] =	wrdreg s6  }
0xd: {  	[dreg:$0x5] =	wrdreg s0;
	s6 =	sadd.s32 s4, s9;
	s0 =	sadd.s32 s4, s20  }
0xe: {  	s4 =	sadd.s32 s22, s4;
	s20 =	simm.s32 $0x80;
	s22 =	simm.s32 $0xA400  }
0xf: {  	s18 =	sadd.s32 $0x800, s6;
	s19 =	sadd.s32 $0x1000, s6;
	s21 =	sadd.s32 $0x1800, s6  }
0x10: {  	s23 =	sadd.s32 $0x2000, s6;
	s24 =	sadd.s32 $0x61800, s0;
	[dreg:$0x6] =	wrdreg s18  }
0x11: {  	s25 =	sadd.s32 $0x62000, s0;
	s13 =	sadd.s32 $0x62800, s0;
	[dreg:$0x7] =	wrdreg s19  }
0x12: {  	s14 =	sadd.s32 $0x63000, s0;
	s15 =	sadd.s32 $0x63800, s0;
	[dreg:$0x8] =	wrdreg s21  }
0x13: {  	s26 =	sadd.s32 s1, s4;
	s1 =	simm.s32 $0x3;
	[dreg:$0x9] =	wrdreg s23  }
0x14: {  	s0 =	simm.s32 $0x6;
	s4 =	simm.s32 $0xB;
	[dreg:$0xa] =	wrdreg s24  }
0x15: {  	[dreg:$0xb] =	wrdreg s25;
	s17 =	sadd.s32 $0x4800, s26;
	s18 =	simm.s32 $0xC  }
0x16: {  	s21 =	simm.s32 $0x6400;
	s24 =	simm.s32 $0xE400;
	s25 =	simm.s32 $0x1  }
0x17: {  	s23 =	simm.s32 $0x4;
	s26 =	simm.s32 $0x7;
	s19 =	simm.s32 $0x5  }
.LBB2_1:
0x18: {  	s9 =	rddreg [dreg:$0x4]  }
0x19: {  	[tilespmem:s3], [sflag:$0xC] =	stream.linear.gather [hbm4b:s9+s3], $0x400, $0x38;
	[tilespmem:$0x1A400] =	vst v63  }
0x1a: {  	_ =	swait.ge [sflag:s18], $0x400  }
0x1b: {  	[sflag:s18] =	ssyncset.done $0x0  }
0x1c: {  	s10 =	simm.s32 $0x400;
	s12 =	rddreg [dreg:$0x5];
	[sflag:s18] =	ssyncadd.s32 $0xFFFFFC00  }
0x1d: {  	[tilespmem:s10], [sflag:$0xB] =	stream.linear.gather [hbm4b:s12+s3], $0x6000, $0x38;
	[tilespmem:$0x1A400] =	vst v63  }
0x1e: {  	_ = 	snop  }
0x1f: {  	[tilespmem:s21], [sflag:$0x1] =	stream.indirect.gather [hbm4b:s2+s20], $0x80, s3, s20, $0xb8;
	[tilespmem:$0x1A400] =	vst v63  }
0x20: {  	_ = 	snop  }
0x21: {  	[tilespmem:s22], [sflag:$0x2] =	stream.indirect.gather [hbm4b:s2+s20], $0x80, s20, s20, $0xb8;
	[tilespmem:$0x1A400] =	vst v63  }
0x22: {  	s10 =	simm.s32 $0x100  }
0x23: {  	[tilespmem:s24], [sflag:$0x3] =	stream.indirect.gather [hbm4b:s2+s20], $0x80, s10, s20, $0xb8;
	[tilespmem:$0x1A400] =	vst v63  }
0x24: {  	_ =	swait.ge [sflag:s25], $0x4000  }
0x25: {  	[sflag:s25] =	ssyncset.done $0x0  }
0x26: {  	[sflag:s25] =	ssyncadd.s32 $0xFFFFC000  }
0x27: {  	[hbm4b:s6+s3] =	stream.linear.scatter [tilespmem:s21], [sflag:$0x6], $0x4000, $0x38;
	[tilespmem:$0x1A400] =	vst v63  }
0x28: {  	s11 =	simm.s32 $0x180  }
0x29: {  	[tilespmem:s28], [sflag:$0x4] =	stream.indirect.gather [hbm4b:s2+s20], $0x80, s11, s20, $0xb8;
	[tilespmem:$0x1A400] =	vst v63  }
0x2a: {  	_ =	swait.ge [sflag:s29], $0x4000  }
0x2b: {  	[sflag:s29] =	ssyncset.done $0x0  }
0x2c: {  	s12 =	rddreg [dreg:$0x6];
	[sflag:s29] =	ssyncadd.s32 $0xFFFFC000  }
0x2d: {  	[hbm4b:s12+s3] =	stream.linear.scatter [tilespmem:s22], [sflag:$0x7], $0x4000, $0x38;
	[tilespmem:$0x1A400] =	vst v63  }
0x2e: {  	s10 =	simm.s32 $0x200  }
0x2f: {  	[tilespmem:s31], [sflag:$0x5] =	stream.indirect.gather [hbm4b:s2+s20], $0x80, s10, s20, $0xb8;
	[tilespmem:$0x1A400] =	vst v63  }
0x30: {  	_ =	swait.ge [sflag:s1], $0x4000  }
0x31: {  	[sflag:s1] =	ssyncset.done $0x0  }
0x32: {  	s11 =	rddreg [dreg:$0x7];
	[sflag:s1] =	ssyncadd.s32 $0xFFFFC000  }
0x33: {  	[hbm4b:s11+s3] =	stream.linear.scatter [tilespmem:s24], [sflag:$0x8], $0x4000, $0x38;
	[tilespmem:$0x1A400] =	vst v63  }
0x34: {  	_ =	swait.ge [sflag:s0], $0x4000  }
0x35: {  	[sflag:s0] =	ssyncset.done $0x0  }
0x36: {  	s12 =	simm.s32 $0x280;
	[sflag:s0] =	ssyncadd.s32 $0xFFFFC000  }
0x37: {  	[tilespmem:s21], [sflag:$0x1] =	stream.indirect.gather [hbm4b:s2+s20], $0x80, s12, s20, $0xb8;
	[tilespmem:$0x1A400] =	vst v63  }
0x38: {  	_ =	swait.ge [sflag:s23], $0x4000  }
0x39: {  	[sflag:s23] =	ssyncset.done $0x0  }
0x3a: {  	s10 =	rddreg [dreg:$0x8];
	[sflag:s23] =	ssyncadd.s32 $0xFFFFC000  }
0x3b: {  	[hbm4b:s10+s3] =	stream.linear.scatter [tilespmem:s28], [sflag:$0x9], $0x4000, $0x38;
	[tilespmem:$0x1A400] =	vst v63  }
0x3c: {  	_ =	swait.ge [sflag:s26], $0x4000  }
0x3d: {  	[sflag:s26] =	ssyncset.done $0x0  }
0x3e: {  	s11 =	simm.s32 $0x300;
	[sflag:s26] =	ssyncadd.s32 $0xFFFFC000  }
0x3f: {  	[tilespmem:s22], [sflag:$0x2] =	stream.indirect.gather [hbm4b:s2+s20], $0x80, s11, s20, $0xb8;
	[tilespmem:$0x1A400] =	vst v63  }
0x40: {  	_ =	swait.ge [sflag:s19], $0x4000  }
0x41: {  	[sflag:s19] =	ssyncset.done $0x0  }
0x42: {  	s12 =	rddreg [dreg:$0x9];
	[sflag:s19] =	ssyncadd.s32 $0xFFFFC000  }
0x43: {  	[hbm4b:s12+s3] =	stream.linear.scatter [tilespmem:s31], [sflag:$0xA], $0x4000, $0x38;
	[tilespmem:$0x1A400] =	vst v63  }
0x44: {  	_ =	swait.ge [sflag:s30], $0x4000  }
0x45: {  	[sflag:s30] =	ssyncset.done $0x0  }
0x46: {  	s10 =	simm.s32 $0x380;
	[sflag:s30] =	ssyncadd.s32 $0xFFFFC000  }
0x47: {  	[tilespmem:s24], [sflag:$0x3] =	stream.indirect.gather [hbm4b:s2+s20], $0x80, s10, s20, $0xb8;
	[tilespmem:$0x1A400] =	vst v63  }
0x48: {  	_ =	swait.ge [sflag:s4], $0x6000  }
0x49: {  	[sflag:s4] =	ssyncset.done $0x0  }
0x4a: {  	[sflag:s4] =	ssyncadd.s32 $0xFFFFA000  }
0x4b: {  	_ =	swait.ge [sflag:s25], $0x4000  }
0x4c: {  	[sflag:s25] =	ssyncset.done $0x0  }
0x4d: {  	s11 =	sadd.s32 $0xFFFFE000, s17;
	[sflag:s25] =	ssyncadd.s32 $0xFFFFC000  }
0x4e: {  	[hbm4b:s11+s3] =	stream.linear.scatter [tilespmem:s21], [sflag:$0x6], $0x4000, $0x38;
	[tilespmem:$0x1A400] =	vst v63  }
0x4f: {  	_ =	swait.ge [sflag:s5], $0x4000  }
0x50: {  	[sflag:s5] =	ssyncset.done $0x0  }
0x51: {  	s12 =	simm.s32 $0x400;
	[sflag:s5] =	ssyncadd.s32 $0xFFFFC000  }
0x52: {  	[tilespmem:s28], [sflag:$0x4] =	stream.indirect.gather [hbm4b:s2+s20], $0x80, s12, s20, $0xb8;
	[tilespmem:$0x1A400] =	vst v63  }
0x53: {  	_ =	swait.ge [sflag:s29], $0x4000  }
0x54: {  	[sflag:s29] =	ssyncset.done $0x0  }
0x55: {  	s10 =	sadd.s32 $0xFFFFE800, s17;
	[sflag:s29] =	ssyncadd.s32 $0xFFFFC000  }
0x56: {  	[hbm4b:s10+s3] =	stream.linear.scatter [tilespmem:s22], [sflag:$0x7], $0x4000, $0x38;
	[tilespmem:$0x1A400] =	vst v63  }
0x57: {  	_ =	swait.ge [sflag:s7], $0x4000  }
0x58: {  	[sflag:s7] =	ssyncset.done $0x0  }
0x59: {  	s11 =	simm.s32 $0x480;
	[sflag:s7] =	ssyncadd.s32 $0xFFFFC000  }
0x5a: {  	[tilespmem:s31], [sflag:$0x5] =	stream.indirect.gather [hbm4b:s2+s20], $0x80, s11, s20, $0xb8;
	[tilespmem:$0x1A400] =	vst v63  }
0x5b: {  	_ =	swait.ge [sflag:s1], $0x4000  }
0x5c: {  	[sflag:s1] =	ssyncset.done $0x0  }
0x5d: {  	s12 =	sadd.s32 $0xFFFFF000, s17;
	[sflag:s1] =	ssyncadd.s32 $0xFFFFC000  }
0x5e: {  	[hbm4b:s12+s3] =	stream.linear.scatter [tilespmem:s24], [sflag:$0x8], $0x4000, $0x38;
	[tilespmem:$0x1A400] =	vst v63  }
0x5f: {  	_ =	swait.ge [sflag:s0], $0x4000  }
0x60: {  	[sflag:s0] =	ssyncset.done $0x0  }
0x61: {  	s10 =	simm.s32 $0x500;
	[sflag:s0] =	ssyncadd.s32 $0xFFFFC000  }
0x62: {  	[tilespmem:s21], [sflag:$0x1] =	stream.indirect.gather [hbm4b:s2+s20], $0x80, s10, s20, $0xb8;
	[tilespmem:$0x1A400] =	vst v63  }
0x63: {  	_ =	swait.ge [sflag:s23], $0x4000  }
0x64: {  	[sflag:s23] =	ssyncset.done $0x0  }
0x65: {  	s11 =	sadd.s32 $0xFFFFF800, s17;
	[sflag:s23] =	ssyncadd.s32 $0xFFFFC000  }
0x66: {  	[hbm4b:s11+s3] =	stream.linear.scatter [tilespmem:s28], [sflag:$0x9], $0x4000, $0x38;
	[tilespmem:$0x1A400] =	vst v63  }
0x67: {  	_ =	swait.ge [sflag:s26], $0x4000  }
0x68: {  	[sflag:s26] =	ssyncset.done $0x0  }
0x69: {  	s12 =	simm.s32 $0x580;
	[sflag:s26] =	ssyncadd.s32 $0xFFFFC000  }
0x6a: {  	[tilespmem:s22], [sflag:$0x2] =	stream.indirect.gather [hbm4b:s2+s20], $0x80, s12, s20, $0xb8;
	[tilespmem:$0x1A400] =	vst v63  }
0x6b: {  	_ =	swait.ge [sflag:s19], $0x4000  }
0x6c: {  	[sflag:s19] =	ssyncset.done $0x0  }
0x6d: {  	[sflag:s19] =	ssyncadd.s32 $0xFFFFC000  }
0x6e: {  	[hbm4b:s17+s3] =	stream.linear.scatter [tilespmem:s31], [sflag:$0xA], $0x4000, $0x38;
	[tilespmem:$0x1A400] =	vst v63  }
0x6f: {  	_ =	swait.ge [sflag:s30], $0x4000  }
0x70: {  	s9 =	simm.s32 $0xA00;
	[sflag:s30] =	ssyncset.done $0x0  }
0x71: {  	s10 =	sadd.s32 $0x2800, s17;
	s11 =	simm.s32 $0x600;
	[sflag:s30] =	ssyncadd.s32 $0xFFFFC000  }
.LBB2_2:
0x72: {  	[tilespmem:s24], [sflag:$0x3] =	stream.indirect.gather [hbm4b:s2+s20], $0x80, s11, s20, $0xb8;
	[tilespmem:$0x1A400] =	vst v63  }
0x73: {  	s11 =	smov.u32 s9  }
0x74: {  	p0 =	sne.s32 s9, $0x17200;
	s9 =	sadd.s32 $0xA00, s9;
	_ =	swait.ge [sflag:s25], $0x4000  }
0x75: {  	[sflag:s25] =	ssyncset.done $0x0  }
0x76: {  	s12 =	sadd.s32 $0xFFFFE000, s10;
	[sflag:s25] =	ssyncadd.s32 $0xFFFFC000  }
0x77: {  	[hbm4b:s12+s3] =	stream.linear.scatter [tilespmem:s21], [sflag:$0x6], $0x4000, $0x38;
	[tilespmem:$0x1A400] =	vst v63  }
0x78: {  	_ =	swait.ge [sflag:s5], $0x4000  }
0x79: {  	s11 =	sshra.s32 s11, $0x2;
	[sflag:s5] =	ssyncset.done $0x0  }
0x7a: {  	s12 =	sadd.s32 $0x400, s11;
	[sflag:s5] =	ssyncadd.s32 $0xFFFFC000  }
0x7b: {  	[tilespmem:s28], [sflag:$0x4] =	stream.indirect.gather [hbm4b:s2+s20], $0x80, s12, s20, $0xb8;
	[tilespmem:$0x1A400] =	vst v63  }
0x7c: {  	_ =	swait.ge [sflag:s29], $0x4000  }
0x7d: {  	[sflag:s29] =	ssyncset.done $0x0  }
0x7e: {  	s12 =	sadd.s32 $0xFFFFE800, s10;
	[sflag:s29] =	ssyncadd.s32 $0xFFFFC000  }
0x7f: {  	[hbm4b:s12+s3] =	stream.linear.scatter [tilespmem:s22], [sflag:$0x7], $0x4000, $0x38;
	[tilespmem:$0x1A400] =	vst v63  }
0x80: {  	_ =	swait.ge [sflag:s7], $0x4000  }
0x81: {  	[sflag:s7] =	ssyncset.done $0x0  }
0x82: {  	s12 =	sadd.s32 $0x480, s11;
	[sflag:s7] =	ssyncadd.s32 $0xFFFFC000  }
0x83: {  	[tilespmem:s31], [sflag:$0x5] =	stream.indirect.gather [hbm4b:s2+s20], $0x80, s12, s20, $0xb8;
	[tilespmem:$0x1A400] =	vst v63  }
0x84: {  	_ =	swait.ge [sflag:s1], $0x4000  }
0x85: {  	[sflag:s1] =	ssyncset.done $0x0  }
0x86: {  	s12 =	sadd.s32 $0xFFFFF000, s10;
	[sflag:s1] =	ssyncadd.s32 $0xFFFFC000  }
0x87: {  	[hbm4b:s12+s3] =	stream.linear.scatter [tilespmem:s24], [sflag:$0x8], $0x4000, $0x38;
	[tilespmem:$0x1A400] =	vst v63  }
0x88: {  	_ =	swait.ge [sflag:s0], $0x4000  }
0x89: {  	[sflag:s0] =	ssyncset.done $0x0  }
0x8a: {  	s12 =	sadd.s32 $0x500, s11;
	[sflag:s0] =	ssyncadd.s32 $0xFFFFC000  }
0x8b: {  	[tilespmem:s21], [sflag:$0x1] =	stream.indirect.gather [hbm4b:s2+s20], $0x80, s12, s20, $0xb8;
	[tilespmem:$0x1A400] =	vst v63  }
0x8c: {  	_ =	swait.ge [sflag:s23], $0x4000  }
0x8d: {  	[sflag:s23] =	ssyncset.done $0x0  }
0x8e: {  	s12 =	sadd.s32 $0xFFFFF800, s10;
	[sflag:s23] =	ssyncadd.s32 $0xFFFFC000  }
0x8f: {  	[hbm4b:s12+s3] =	stream.linear.scatter [tilespmem:s28], [sflag:$0x9], $0x4000, $0x38;
	[tilespmem:$0x1A400] =	vst v63  }
0x90: {  	_ =	swait.ge [sflag:s26], $0x4000  }
0x91: {  	[sflag:s26] =	ssyncset.done $0x0  }
0x92: {  	s12 =	sadd.s32 $0x580, s11;
	[sflag:s26] =	ssyncadd.s32 $0xFFFFC000  }
0x93: {  	[tilespmem:s22], [sflag:$0x2] =	stream.indirect.gather [hbm4b:s2+s20], $0x80, s12, s20, $0xb8;
	[tilespmem:$0x1A400] =	vst v63  }
0x94: {  	_ =	swait.ge [sflag:s19], $0x4000  }
0x95: {  	[sflag:s19] =	ssyncset.done $0x0  }
.Ltmp0:
0x96: {  	[sflag:s19] =	ssyncadd.s32 $0xFFFFC000;
	(pc) =	sbr.rel @p0 .LBB2_2-.Ltmp0, $4  }
0x97: {  	[hbm4b:s10+s3] =	stream.linear.scatter [tilespmem:s31], [sflag:$0xA], $0x4000, $0x38;
	[tilespmem:$0x1A400] =	vst v63  }
0x98: {  	_ =	swait.ge [sflag:s30], $0x4000  }
0x99: {  	[sflag:s30] =	ssyncset.done $0x0  }
0x9a: {  	s11 =	sadd.s32 $0x600, s11;
	s10 =	sadd.s32 $0x2800, s10;
	[sflag:s30] =	ssyncadd.s32 $0xFFFFC000  }
0x9b: {  	[tilespmem:s24], [sflag:$0x3] =	stream.indirect.gather [hbm4b:s2+s20], $0x80, s11, s20, $0xb8;
	[tilespmem:$0x1A400] =	vst v63  }
0x9c: {  	_ =	swait.ge [sflag:s25], $0x4000  }
0x9d: {  	[sflag:s25] =	ssyncset.done $0x0  }
0x9e: {  	s9 =	rddreg [dreg:$0xa];
	[sflag:s25] =	ssyncadd.s32 $0xFFFFC000  }
0x9f: {  	[hbm4b:s9+s3] =	stream.linear.scatter [tilespmem:s21], [sflag:$0x6], $0x4000, $0x38;
	[tilespmem:$0x1A400] =	vst v63  }
0xa0: {  	_ =	swait.ge [sflag:s5], $0x4000  }
0xa1: {  	[sflag:s5] =	ssyncset.done $0x0  }
0xa2: {  	s10 =	simm.s32 $0x6300;
	[sflag:s5] =	ssyncadd.s32 $0xFFFFC000  }
0xa3: {  	[tilespmem:s28], [sflag:$0x4] =	stream.indirect.gather [hbm4b:s2+s20], $0x80, s10, s20, $0xb8;
	[tilespmem:$0x1A400] =	vst v63  }
0xa4: {  	_ =	swait.ge [sflag:s29], $0x4000  }
0xa5: {  	[sflag:s29] =	ssyncset.done $0x0  }
0xa6: {  	s11 =	rddreg [dreg:$0xb];
	[sflag:s29] =	ssyncadd.s32 $0xFFFFC000  }
0xa7: {  	[hbm4b:s11+s3] =	stream.linear.scatter [tilespmem:s22], [sflag:$0x7], $0x4000, $0x38;
	[tilespmem:$0x1A400] =	vst v63  }
0xa8: {  	_ =	swait.ge [sflag:s7], $0x4000  }
0xa9: {  	[sflag:s7] =	ssyncset.done $0x0  }
0xaa: {  	s12 =	simm.s32 $0x6380;
	[sflag:s7] =	ssyncadd.s32 $0xFFFFC000  }
0xab: {  	[tilespmem:s31], [sflag:$0x5] =	stream.indirect.gather [hbm4b:s2+s20], $0x80, s12, s20, $0xb8;
	[tilespmem:$0x1A400] =	vst v63  }
0xac: {  	_ =	swait.ge [sflag:s1], $0x4000  }
0xad: {  	[sflag:s1] =	ssyncset.done $0x0  }
0xae: {  	[sflag:s1] =	ssyncadd.s32 $0xFFFFC000  }
0xaf: {  	[hbm4b:s13+s3] =	stream.linear.scatter [tilespmem:s24], [sflag:$0x8], $0x4000, $0x38;
	[tilespmem:$0x1A400] =	vst v63  }
0xb0: {  	_ =	swait.ge [sflag:s23], $0x4000  }
0xb1: {  	[sflag:s23] =	ssyncset.done $0x0  }
0xb2: {  	[sflag:s23] =	ssyncadd.s32 $0xFFFFC000  }
0xb3: {  	[hbm4b:s14+s3] =	stream.linear.scatter [tilespmem:s28], [sflag:$0x9], $0x4000, $0x38;
	[tilespmem:$0x1A400] =	vst v63  }
0xb4: {  	_ =	swait.ge [sflag:s19], $0x4000  }
0xb5: {  	[sflag:s19] =	ssyncset.done $0x0  }
0xb6: {  	[sflag:s19] =	ssyncadd.s32 $0xFFFFC000  }
0xb7: {  	[hbm4b:s15+s3] =	stream.linear.scatter [tilespmem:s31], [sflag:$0xA], $0x4000, $0x38;
	[tilespmem:$0x1A400] =	vst v63  }
0xb8: {  	_ =	swait.ge [sflag:s0], $0x4000  }
0xb9: {  	[sflag:s0] =	ssyncset.done $0x0  }
0xba: {  	[sflag:s0] =	ssyncadd.s32 $0xFFFFC000  }
0xbb: {  	_ =	swait.ge [sflag:s26], $0x4000  }
0xbc: {  	[sflag:s26] =	ssyncset.done $0x0  }
0xbd: {  	[sflag:s26] =	ssyncadd.s32 $0xFFFFC000  }
0xbe: {  	_ =	swait.ge [sflag:s30], $0x4000  }
0xbf: {  	[sflag:s30] =	ssyncset.done $0x0  }
0xc0: {  	s8 =	sadd.s32 $0x1, s8;
	[sflag:s30] =	ssyncadd.s32 $0xFFFFC000  }
0xc1: {  	p0 =	sne.s32 s8, s16;
	_ =	swait.ge [sflag:s5], $0x4000  }
.Ltmp1:
0xc2: {  	[sflag:s5] =	ssyncset.done $0x0;
	(pc) =	sbr.rel @p0 .LBB2_1-.Ltmp1, $4  }
0xc3: {  	[sflag:s5] =	ssyncadd.s32 $0xFFFFC000  }
0xc4: {  	_ =	swait.ge [sflag:s7], $0x4000  }
0xc5: {  	[sflag:s7] =	ssyncset.done $0x0  }
0xc6: {  	[sflag:s7] =	ssyncadd.s32 $0xFFFFC000  }
0xc7: {  	_ =	sfence.sel $0x180000  }
0xc8: {  	[bflag:$0x0] =	sbarrier.arrive $0xFFFF  }
0xc9: {  	_ =	strace $0x90000047  }
0xca: {  	s0 =	stileid.u32;
	[bflag:$0x2] =	sbarrier.arrive $0xFFFF  }
0xcb: {  	p0 =	sne.s32 s0, $0x0;
	s0 =	rddreg [dreg:$0x3]  }
0xcc: {  	s0 =	sadd.s32 @!p0 $0x100000, s0  }
0xcd: {  	[sflag:s0] =	ssyncadd.tile.s32 @!p0 $0x1;
	_ =	shalt  }
.Lfunc_end2:
_tile_overlayer_lowered:
.L_overlay_start_2:
0xce: {  	(tag) =	ssettag $0x2  }
0xcf: {  	s0 =	rddreg [dreg:$0x0];
	s2 =	stileid.u32  }
0xd0: {  	s1 =	rddreg [dreg:$0x1];
	p0 =	sne.s32 s2, $0x0  }
0xd1: {  	s3 =	rddreg [dreg:$0x2];
	[bflag:$0x3] =	sbarrier.arrive $0xFFFF;
	s2 =	simm.s32 @!p0 $0x1C0C  }
0xd2: {  	[timem:s3], [sflag:s2] =	dma.local @!p0 [hbm:s0], s1  }
0xd3: {  	s0 =	simm.s32 @!p0 $0xC  }
0xd4: {  	_ =	swait.ge @!p0 [sflag:s0], s1  }
0xd5: {  	s1 =	ssub.s32 @!p0 $0x0, s1;
	[sflag:s0] =	ssyncset.done @!p0 $0x0  }
0xd6: {  	[sflag:s0] =	ssyncadd.s32 @!p0 s1  }
0xd7: {  	[bflag:$0x3] =	sbarrier.arrive $0xFFFF  }
0xd8: {  	_ =	shalt  }

</sc_bundles>
